<compile_context>
chip_gen: v7x
topology: tpu7x:2x2x1
jax: 0.10.2.dev20260603
libtpu: 0.0.44.dev20260713+nightly
codegen_flags: <defaults>
</compile_context>

<pallas_src>
import functools

import jax
import jax.numpy as jnp
from jax import lax
from jax.experimental import pallas as pl
from jax.experimental.pallas import tpu as pltpu
from jax.experimental.pallas import tpu_sc as plsc

_D = 1024
_N = 4 * 8192
_NW = 32
_PER_W = _N // _NW
_CHUNK = 32
_NCHUNK = _PER_W // _CHUNK
_NBUF = 3

_mesh = plsc.VectorSubcoreMesh(core_axis_name="c", subcore_axis_name="s")


@functools.partial(
    pl.kernel,
    mesh=_mesh,
    out_type=jax.ShapeDtypeStruct((_N, _D), jnp.float32),
    scratch_types=[
        pltpu.VMEM((_NCHUNK, _CHUNK), jnp.int32),
        pltpu.VMEM((_NBUF, _CHUNK, _D), jnp.float32),
        pltpu.SemaphoreType.DMA,
        pltpu.SemaphoreType.DMA,
        pltpu.SemaphoreType.DMA,
        pltpu.SemaphoreType.DMA,
        pltpu.SemaphoreType.DMA,
        pltpu.SemaphoreType.DMA,
    ],
)
def _gather(x_hbm, pe_hbm, out_hbm, idx_v, rows_v, g0, g1, g2, s0, s1, s2):
    wid = lax.axis_index("s") * 2 + lax.axis_index("c")
    base = wid * _PER_W
    pltpu.sync_copy(x_hbm.at[wid], idx_v)
    gsems = (g0, g1, g2)
    ssems = (s0, s1, s2)

    def step(c, b):
        pltpu.make_async_copy(
            pe_hbm.at[idx_v.at[c]], rows_v.at[b], gsems[b]).wait()
        st = pltpu.async_copy(
            rows_v.at[b],
            out_hbm.at[pl.ds(base + c * _CHUNK, _CHUNK)],
            ssems[b])
        st.wait()

        @pl.when(c + _NBUF < _NCHUNK)
        def _():
            pltpu.async_copy(
                pe_hbm.at[idx_v.at[c + _NBUF]], rows_v.at[b], gsems[b])

    for b in range(_NBUF):
        pltpu.async_copy(pe_hbm.at[idx_v.at[b]], rows_v.at[b], gsems[b])

    def body(p, carry):
        for b in range(_NBUF):
            step(p * _NBUF + b, b)
        return carry

    lax.fori_loop(0, (_NCHUNK // _NBUF), body, 0)

    step(_NCHUNK - 2, 0)
    step(_NCHUNK - 1, 1)


def kernel(x, pe):
    xr = x.reshape(_NW, _NCHUNK, _CHUNK)
    out = _gather(xr, pe)
    return out.reshape(x.shape[0], x.shape[1], _D)

# --- scband reference (transcript-rebuilt; emitter-appended) ---
"""Pipeline reference for scband-positional-encoding-67113158967924 (READ-ONLY COPY).

The authoritative reference and input builder live on the scoring server;
editing this copy changes nothing except your own understanding.
"""

import jax, jax.numpy as jnp
import numpy as np
import math

D_MODEL = 1024
MAX_LEN = 8192
BATCH = 4
SEQ = 8192

def _build_pe():
    position = np.arange(MAX_LEN, dtype=np.float32)[:, None]
    div_term = np.exp(np.arange(0, D_MODEL, 2, dtype=np.float32) * (-math.log(10000.0) / D_MODEL))
    pe = np.zeros((MAX_LEN, D_MODEL), dtype=np.float32)
    pe[:, 0::2] = np.sin(position * div_term)
    pe[:, 1::2] = np.cos(position * div_term)
    return jnp.asarray(pe)

def setup_inputs(seed: int = 0) -> dict:
    key = jax.random.key(seed)
    x = jax.random.randint(key, (BATCH, SEQ), 0, MAX_LEN, dtype=jnp.int32)
    pe = _build_pe()
    return {"x": x, "pe": pe}

def reference(x, pe):
    # PositionalEncoding.forward: return self.pe[x]
    return jnp.take(pe, x, axis=0)

if __name__ == "__main__":
    import jax
    _d = setup_inputs()
    print(jax.jit(kernel)(*tuple(_d.values())))

</pallas_src>

<mosaic_0001>
#map = affine_map<(d0, d1) -> (0, 0, 0)>
#map1 = affine_map<(d0, d1) -> (0, 0)>
module attributes {stable_mosaic.version = 14 : i64} {
  func.func @_gather(%arg0: i32, %arg1: i32, %arg2: memref<32x32x32xi32, #tpu.memory_space<hbm>>, %arg3: memref<8192x1024xf32, #tpu.memory_space<hbm>>, %arg4: memref<32768x1024xf32, #tpu.memory_space<hbm>>, %arg5: memref<32x32xi32, #tpu.memory_space<vmem>>, %arg6: memref<3x32x1024xf32, #tpu.memory_space<vmem>>, %arg7: memref<!tpu.dma_semaphore, #tpu.memory_space<semaphore_mem>>, %arg8: memref<!tpu.dma_semaphore, #tpu.memory_space<semaphore_mem>>, %arg9: memref<!tpu.dma_semaphore, #tpu.memory_space<semaphore_mem>>, %arg10: memref<!tpu.dma_semaphore, #tpu.memory_space<semaphore_mem>>, %arg11: memref<!tpu.dma_semaphore, #tpu.memory_space<semaphore_mem>>, %arg12: memref<!tpu.dma_semaphore, #tpu.memory_space<semaphore_mem>>) attributes {dimension_semantics = [#tpu.dimension_semantics<core_parallel>, #tpu.dimension_semantics<subcore_parallel>], iteration_bounds = array<i64: 2, 16>, scalar_prefetch = 0 : i64, scratch_operands = 8 : i64, tpu.core_type = #tpu.core_type<sc_vector_subcore>, window_params = [{transform_indices = #map}, {transform_indices = #map1}, {transform_indices = #map1}]} {
    %mul3A = arith.constant 2 : i32
    %mul3A_0 = arith.muli %arg1, %mul3A : i32
    %add3A = arith.addi %mul3A_0, %arg0 : i32
    %mul3A_1 = arith.constant 1024 : i32
    %mul3A_2 = arith.muli %add3A, %mul3A_1 : i32
    "tpu.region"() ({
      %run_scoped3A = tpu.sem_alloc : memref<!tpu.dma_semaphore, #tpu.memory_space<semaphore_mem>>
      %dma_start3A_122 = arith.constant 0 : i32
      %dma_start3A_123 = arith.constant 0 : i32
      %dma_start3A_124 = tpu.memref_slice %arg2[%add3A, %dma_start3A_122, %dma_start3A_123] : memref<32x32x32xi32, #tpu.memory_space<hbm>> -> memref<1x32x32xi32, #tpu.memory_space<hbm>>
      %dma_start3A_125 = tpu.memref_squeeze %dma_start3A_124 : memref<1x32x32xi32, #tpu.memory_space<hbm>> -> memref<32x32xi32, #tpu.memory_space<hbm>>
      %dma_start3A_126 = arith.constant 0 : i32
      %dma_start3A_127 = arith.constant 0 : i32
      %dma_start3A_128 = tpu.memref_slice %arg2[%add3A, %dma_start3A_126, %dma_start3A_127] : memref<32x32x32xi32, #tpu.memory_space<hbm>> -> memref<1x32x32xi32, #tpu.memory_space<hbm>>
      %dma_start3A_129 = tpu.memref_squeeze %dma_start3A_128 : memref<1x32x32xi32, #tpu.memory_space<hbm>> -> memref<32x32xi32, #tpu.memory_space<hbm>>
      tpu.enqueue_dma source(%dma_start3A_129 : memref<32x32xi32, #tpu.memory_space<hbm>>) target(%arg5 : memref<32x32xi32, #tpu.memory_space<vmem>>) target_semaphore(%run_scoped3A : memref<!tpu.dma_semaphore, #tpu.memory_space<semaphore_mem>>)
      %dma_wait3A_130 = arith.constant 0 : i32
      %dma_wait3A_131 = arith.constant 0 : i32
      %dma_wait3A_132 = tpu.memref_slice %arg2[%add3A, %dma_wait3A_130, %dma_wait3A_131] : memref<32x32x32xi32, #tpu.memory_space<hbm>> -> memref<1x32x32xi32, #tpu.memory_space<hbm>>
      %dma_wait3A_133 = tpu.memref_squeeze %dma_wait3A_132 : memref<1x32x32xi32, #tpu.memory_space<hbm>> -> memref<32x32xi32, #tpu.memory_space<hbm>>
      %dma_wait3A_134 = arith.constant 0 : i32
      %dma_wait3A_135 = arith.constant 0 : i32
      %dma_wait3A_136 = tpu.memref_slice %arg2[%add3A, %dma_wait3A_134, %dma_wait3A_135] : memref<32x32x32xi32, #tpu.memory_space<hbm>> -> memref<1x32x32xi32, #tpu.memory_space<hbm>>
      %dma_wait3A_137 = tpu.memref_squeeze %dma_wait3A_136 : memref<1x32x32xi32, #tpu.memory_space<hbm>> -> memref<32x32xi32, #tpu.memory_space<hbm>>
      tpu.wait_dma2 semaphore(%run_scoped3A : memref<!tpu.dma_semaphore, #tpu.memory_space<semaphore_mem>>) src(%dma_wait3A_137 : memref<32x32xi32, #tpu.memory_space<hbm>>) dst(%arg5 : memref<32x32xi32, #tpu.memory_space<vmem>>)
      tpu.yield
    }) : () -> ()
    %dma_start3A = arith.constant 0 : i32
    %dma_start3A_3 = arith.constant 0 : i32
    %dma_start3A_4 = arith.constant 0 : i32
    %dma_start3A_5 = arith.constant 0 : i32
    %dma_start3A_6 = tpu.memref_slice %arg6[%dma_start3A_3, %dma_start3A_4, %dma_start3A_5] : memref<3x32x1024xf32, #tpu.memory_space<vmem>> -> memref<1x32x1024xf32, #tpu.memory_space<vmem>>
    %dma_start3A_7 = tpu.memref_squeeze %dma_start3A_6 : memref<1x32x1024xf32, #tpu.memory_space<vmem>> -> memref<32x1024xf32, #tpu.memory_space<vmem>>
    %dma_start3A_8 = arith.constant 0 : i32
    %dma_start3A_9 = tpu.memref_slice %arg5[%dma_start3A, %dma_start3A_8] : memref<32x32xi32, #tpu.memory_space<vmem>> -> memref<1x32xi32, #tpu.memory_space<vmem>>
    %dma_start3A_10 = tpu.memref_squeeze %dma_start3A_9 : memref<1x32xi32, #tpu.memory_space<vmem>> -> memref<32xi32, #tpu.memory_space<vmem>>
    %dma_start3A_11 = arith.constant 0 : i32
    %dma_start3A_12 = arith.constant 0 : i32
    %dma_start3A_13 = tpu.memref_slice %arg3[%dma_start3A_11, %dma_start3A_12] : memref<8192x1024xf32, #tpu.memory_space<hbm>> -> memref<8192x1024xf32, #tpu.memory_space<hbm>>
    tpu.enqueue_indirect_dma source(%dma_start3A_13 : memref<8192x1024xf32, #tpu.memory_space<hbm>>) target(%dma_start3A_7 : memref<32x1024xf32, #tpu.memory_space<vmem>>) offsets(%dma_start3A_10 : memref<32xi32, #tpu.memory_space<vmem>>) semaphore(%arg7 : memref<!tpu.dma_semaphore, #tpu.memory_space<semaphore_mem>>)
    %dma_start3A_14 = arith.constant 1 : i32
    %dma_start3A_15 = arith.constant 1 : i32
    %dma_start3A_16 = arith.constant 0 : i32
    %dma_start3A_17 = arith.constant 0 : i32
    %dma_start3A_18 = tpu.memref_slice %arg6[%dma_start3A_15, %dma_start3A_16, %dma_start3A_17] : memref<3x32x1024xf32, #tpu.memory_space<vmem>> -> memref<1x32x1024xf32, #tpu.memory_space<vmem>>
    %dma_start3A_19 = tpu.memref_squeeze %dma_start3A_18 : memref<1x32x1024xf32, #tpu.memory_space<vmem>> -> memref<32x1024xf32, #tpu.memory_space<vmem>>
    %dma_start3A_20 = arith.constant 0 : i32
    %dma_start3A_21 = tpu.memref_slice %arg5[%dma_start3A_14, %dma_start3A_20] : memref<32x32xi32, #tpu.memory_space<vmem>> -> memref<1x32xi32, #tpu.memory_space<vmem>>
    %dma_start3A_22 = tpu.memref_squeeze %dma_start3A_21 : memref<1x32xi32, #tpu.memory_space<vmem>> -> memref<32xi32, #tpu.memory_space<vmem>>
    %dma_start3A_23 = arith.constant 0 : i32
    %dma_start3A_24 = arith.constant 0 : i32
    %dma_start3A_25 = tpu.memref_slice %arg3[%dma_start3A_23, %dma_start3A_24] : memref<8192x1024xf32, #tpu.memory_space<hbm>> -> memref<8192x1024xf32, #tpu.memory_space<hbm>>
    tpu.enqueue_indirect_dma source(%dma_start3A_25 : memref<8192x1024xf32, #tpu.memory_space<hbm>>) target(%dma_start3A_19 : memref<32x1024xf32, #tpu.memory_space<vmem>>) offsets(%dma_start3A_22 : memref<32xi32, #tpu.memory_space<vmem>>) semaphore(%arg8 : memref<!tpu.dma_semaphore, #tpu.memory_space<semaphore_mem>>)
    %dma_start3A_26 = arith.constant 2 : i32
    %dma_start3A_27 = arith.constant 2 : i32
    %dma_start3A_28 = arith.constant 0 : i32
    %dma_start3A_29 = arith.constant 0 : i32
    %dma_start3A_30 = tpu.memref_slice %arg6[%dma_start3A_27, %dma_start3A_28, %dma_start3A_29] : memref<3x32x1024xf32, #tpu.memory_space<vmem>> -> memref<1x32x1024xf32, #tpu.memory_space<vmem>>
    %dma_start3A_31 = tpu.memref_squeeze %dma_start3A_30 : memref<1x32x1024xf32, #tpu.memory_space<vmem>> -> memref<32x1024xf32, #tpu.memory_space<vmem>>
    %dma_start3A_32 = arith.constant 0 : i32
    %dma_start3A_33 = tpu.memref_slice %arg5[%dma_start3A_26, %dma_start3A_32] : memref<32x32xi32, #tpu.memory_space<vmem>> -> memref<1x32xi32, #tpu.memory_space<vmem>>
    %dma_start3A_34 = tpu.memref_squeeze %dma_start3A_33 : memref<1x32xi32, #tpu.memory_space<vmem>> -> memref<32xi32, #tpu.memory_space<vmem>>
    %dma_start3A_35 = arith.constant 0 : i32
    %dma_start3A_36 = arith.constant 0 : i32
    %dma_start3A_37 = tpu.memref_slice %arg3[%dma_start3A_35, %dma_start3A_36] : memref<8192x1024xf32, #tpu.memory_space<hbm>> -> memref<8192x1024xf32, #tpu.memory_space<hbm>>
    tpu.enqueue_indirect_dma source(%dma_start3A_37 : memref<8192x1024xf32, #tpu.memory_space<hbm>>) target(%dma_start3A_31 : memref<32x1024xf32, #tpu.memory_space<vmem>>) offsets(%dma_start3A_34 : memref<32xi32, #tpu.memory_space<vmem>>) semaphore(%arg9 : memref<!tpu.dma_semaphore, #tpu.memory_space<semaphore_mem>>)
    %scan3A = arith.constant 0 : i32
    %scan3A_38 = arith.constant 0 : i32
    %scan3A_39 = arith.constant 10 : i32
    %scan3A_40 = arith.addi %scan3A_38, %scan3A_39 : i32
    %scan3A_41 = arith.constant 1 : i32
    scf.for %scan3A_122 = %scan3A_38 to %scan3A_40 step %scan3A_41  : i32 {
      %mul3A_123 = arith.constant 3 : i32
      %mul3A_124 = arith.muli %scan3A_122, %mul3A_123 : i32
      %add3A_125 = arith.constant 0 : i32
      %add3A_126 = arith.addi %mul3A_124, %add3A_125 : i32
      %dma_wait3A_127 = arith.constant 0 : i32
      %dma_wait3A_128 = arith.constant 0 : i32
      %dma_wait3A_129 = arith.constant 0 : i32
      %dma_wait3A_130 = tpu.memref_slice %arg6[%dma_wait3A_127, %dma_wait3A_128, %dma_wait3A_129] : memref<3x32x1024xf32, #tpu.memory_space<vmem>> -> memref<1x32x1024xf32, #tpu.memory_space<vmem>>
      %dma_wait3A_131 = tpu.memref_squeeze %dma_wait3A_130 : memref<1x32x1024xf32, #tpu.memory_space<vmem>> -> memref<32x1024xf32, #tpu.memory_space<vmem>>
      %dma_wait3A_132 = arith.constant 0 : i32
      %dma_wait3A_133 = tpu.memref_slice %arg5[%add3A_126, %dma_wait3A_132] : memref<32x32xi32, #tpu.memory_space<vmem>> -> memref<1x32xi32, #tpu.memory_space<vmem>>
      %dma_wait3A_134 = tpu.memref_squeeze %dma_wait3A_133 : memref<1x32xi32, #tpu.memory_space<vmem>> -> memref<32xi32, #tpu.memory_space<vmem>>
      %dma_wait3A_135 = arith.constant 0 : i32
      %dma_wait3A_136 = arith.constant 0 : i32
      %dma_wait3A_137 = tpu.memref_slice %arg3[%dma_wait3A_135, %dma_wait3A_136] : memref<8192x1024xf32, #tpu.memory_space<hbm>> -> memref<8192x1024xf32, #tpu.memory_space<hbm>>
      tpu.wait_indirect_dma semaphore(%arg7 : memref<!tpu.dma_semaphore, #tpu.memory_space<semaphore_mem>>) src(%dma_wait3A_137 : memref<8192x1024xf32, #tpu.memory_space<hbm>>) dst(%dma_wait3A_131 : memref<32x1024xf32, #tpu.memory_space<vmem>>)
      %mul3A_138 = arith.constant 32 : i32
      %mul3A_139 = arith.muli %add3A_126, %mul3A_138 : i32
      %add3A_140 = arith.addi %mul3A_2, %mul3A_139 : i32
      %dma_start3A_141 = arith.constant 0 : i32
      %dma_start3A_142 = arith.constant 0 : i32
      %dma_start3A_143 = arith.constant 0 : i32
      %dma_start3A_144 = tpu.memref_slice %arg6[%dma_start3A_141, %dma_start3A_142, %dma_start3A_143] : memref<3x32x1024xf32, #tpu.memory_space<vmem>> -> memref<1x32x1024xf32, #tpu.memory_space<vmem>>
      %dma_start3A_145 = tpu.memref_squeeze %dma_start3A_144 : memref<1x32x1024xf32, #tpu.memory_space<vmem>> -> memref<32x1024xf32, #tpu.memory_space<vmem>>
      %dma_start3A_146 = arith.constant 0 : i32
      %dma_start3A_147 = tpu.memref_slice %arg4[%add3A_140, %dma_start3A_146] : memref<32768x1024xf32, #tpu.memory_space<hbm>> -> memref<32x1024xf32, #tpu.memory_space<hbm>>
      %dma_start3A_148 = arith.constant 0 : i32
      %dma_start3A_149 = tpu.memref_slice %arg4[%add3A_140, %dma_start3A_148] : memref<32768x1024xf32, #tpu.memory_space<hbm>> -> memref<32x1024xf32, #tpu.memory_space<hbm>>
      %dma_start3A_150 = arith.constant 0 : i32
      %dma_start3A_151 = arith.constant 0 : i32
      %dma_start3A_152 = tpu.memref_slice %arg6[%dma_start3A_141, %dma_start3A_150, %dma_start3A_151] : memref<3x32x1024xf32, #tpu.memory_space<vmem>> -> memref<1x32x1024xf32, #tpu.memory_space<vmem>>
      %dma_start3A_153 = tpu.memref_squeeze %dma_start3A_152 : memref<1x32x1024xf32, #tpu.memory_space<vmem>> -> memref<32x1024xf32, #tpu.memory_space<vmem>>
      tpu.enqueue_dma source(%dma_start3A_153 : memref<32x1024xf32, #tpu.memory_space<vmem>>) target(%dma_start3A_149 : memref<32x1024xf32, #tpu.memory_space<hbm>>) target_semaphore(%arg10 : memref<!tpu.dma_semaphore, #tpu.memory_space<semaphore_mem>>)
      %dma_wait3A_154 = arith.constant 0 : i32
      %dma_wait3A_155 = arith.constant 0 : i32
      %dma_wait3A_156 = arith.constant 0 : i32
      %dma_wait3A_157 = tpu.memref_slice %arg6[%dma_wait3A_154, %dma_wait3A_155, %dma_wait3A_156] : memref<3x32x1024xf32, #tpu.memory_space<vmem>> -> memref<1x32x1024xf32, #tpu.memory_space<vmem>>
      %dma_wait3A_158 = tpu.memref_squeeze %dma_wait3A_157 : memref<1x32x1024xf32, #tpu.memory_space<vmem>> -> memref<32x1024xf32, #tpu.memory_space<vmem>>
      %dma_wait3A_159 = arith.constant 0 : i32
      %dma_wait3A_160 = tpu.memref_slice %arg4[%add3A_140, %dma_wait3A_159] : memref<32768x1024xf32, #tpu.memory_space<hbm>> -> memref<32x1024xf32, #tpu.memory_space<hbm>>
      %dma_wait3A_161 = arith.constant 0 : i32
      %dma_wait3A_162 = tpu.memref_slice %arg4[%add3A_140, %dma_wait3A_161] : memref<32768x1024xf32, #tpu.memory_space<hbm>> -> memref<32x1024xf32, #tpu.memory_space<hbm>>
      %dma_wait3A_163 = arith.constant 0 : i32
      %dma_wait3A_164 = arith.constant 0 : i32
      %dma_wait3A_165 = tpu.memref_slice %arg6[%dma_wait3A_154, %dma_wait3A_163, %dma_wait3A_164] : memref<3x32x1024xf32, #tpu.memory_space<vmem>> -> memref<1x32x1024xf32, #tpu.memory_space<vmem>>
      %dma_wait3A_166 = tpu.memref_squeeze %dma_wait3A_165 : memref<1x32x1024xf32, #tpu.memory_space<vmem>> -> memref<32x1024xf32, #tpu.memory_space<vmem>>
      tpu.wait_dma2 semaphore(%arg10 : memref<!tpu.dma_semaphore, #tpu.memory_space<semaphore_mem>>) src(%dma_wait3A_166 : memref<32x1024xf32, #tpu.memory_space<vmem>>) dst(%dma_wait3A_162 : memref<32x1024xf32, #tpu.memory_space<hbm>>)
      %add3A_167 = arith.constant 3 : i32
      %add3A_168 = arith.addi %add3A_126, %add3A_167 : i32
      %lt3A = arith.constant 32 : i32
      %lt3A_169 = arith.cmpi slt, %add3A_168, %lt3A : i32
      %convert_element_type3A = arith.extui %lt3A_169 : i1 to i32
      %cond3A = arith.constant 0 : i32
      %cond3A_170 = arith.cmpi ne, %convert_element_type3A, %cond3A : i32
      scf.if %cond3A_170 {
        %add3A_273 = arith.constant 3 : i32
        %add3A_274 = arith.addi %add3A_126, %add3A_273 : i32
        %dma_start3A_275 = arith.constant 0 : i32
        %dma_start3A_276 = arith.constant 0 : i32
        %dma_start3A_277 = arith.constant 0 : i32
        %dma_start3A_278 = tpu.memref_slice %arg6[%dma_start3A_275, %dma_start3A_276, %dma_start3A_277] : memref<3x32x1024xf32, #tpu.memory_space<vmem>> -> memref<1x32x1024xf32, #tpu.memory_space<vmem>>
        %dma_start3A_279 = tpu.memref_squeeze %dma_start3A_278 : memref<1x32x1024xf32, #tpu.memory_space<vmem>> -> memref<32x1024xf32, #tpu.memory_space<vmem>>
        %dma_start3A_280 = arith.constant 0 : i32
        %dma_start3A_281 = tpu.memref_slice %arg5[%add3A_274, %dma_start3A_280] : memref<32x32xi32, #tpu.memory_space<vmem>> -> memref<1x32xi32, #tpu.memory_space<vmem>>
        %dma_start3A_282 = tpu.memref_squeeze %dma_start3A_281 : memref<1x32xi32, #tpu.memory_space<vmem>> -> memref<32xi32, #tpu.memory_space<vmem>>
        %dma_start3A_283 = arith.constant 0 : i32
        %dma_start3A_284 = arith.constant 0 : i32
        %dma_start3A_285 = tpu.memref_slice %arg3[%dma_start3A_283, %dma_start3A_284] : memref<8192x1024xf32, #tpu.memory_space<hbm>> -> memref<8192x1024xf32, #tpu.memory_space<hbm>>
        tpu.enqueue_indirect_dma source(%dma_start3A_285 : memref<8192x1024xf32, #tpu.memory_space<hbm>>) target(%dma_start3A_279 : memref<32x1024xf32, #tpu.memory_space<vmem>>) offsets(%dma_start3A_282 : memref<32xi32, #tpu.memory_space<vmem>>) semaphore(%arg7 : memref<!tpu.dma_semaphore, #tpu.memory_space<semaphore_mem>>)
      } else {
      }
      %mul3A_171 = arith.constant 3 : i32
      %mul3A_172 = arith.muli %scan3A_122, %mul3A_171 : i32
      %add3A_173 = arith.constant 1 : i32
      %add3A_174 = arith.addi %mul3A_172, %add3A_173 : i32
      %dma_wait3A_175 = arith.constant 1 : i32
      %dma_wait3A_176 = arith.constant 0 : i32
      %dma_wait3A_177 = arith.constant 0 : i32
      %dma_wait3A_178 = tpu.memref_slice %arg6[%dma_wait3A_175, %dma_wait3A_176, %dma_wait3A_177] : memref<3x32x1024xf32, #tpu.memory_space<vmem>> -> memref<1x32x1024xf32, #tpu.memory_space<vmem>>
      %dma_wait3A_179 = tpu.memref_squeeze %dma_wait3A_178 : memref<1x32x1024xf32, #tpu.memory_space<vmem>> -> memref<32x1024xf32, #tpu.memory_space<vmem>>
      %dma_wait3A_180 = arith.constant 0 : i32
      %dma_wait3A_181 = tpu.memref_slice %arg5[%add3A_174, %dma_wait3A_180] : memref<32x32xi32, #tpu.memory_space<vmem>> -> memref<1x32xi32, #tpu.memory_space<vmem>>
      %dma_wait3A_182 = tpu.memref_squeeze %dma_wait3A_181 : memref<1x32xi32, #tpu.memory_space<vmem>> -> memref<32xi32, #tpu.memory_space<vmem>>
      %dma_wait3A_183 = arith.constant 0 : i32
      %dma_wait3A_184 = arith.constant 0 : i32
      %dma_wait3A_185 = tpu.memref_slice %arg3[%dma_wait3A_183, %dma_wait3A_184] : memref<8192x1024xf32, #tpu.memory_space<hbm>> -> memref<8192x1024xf32, #tpu.memory_space<hbm>>
      tpu.wait_indirect_dma semaphore(%arg8 : memref<!tpu.dma_semaphore, #tpu.memory_space<semaphore_mem>>) src(%dma_wait3A_185 : memref<8192x1024xf32, #tpu.memory_space<hbm>>) dst(%dma_wait3A_179 : memref<32x1024xf32, #tpu.memory_space<vmem>>)
      %mul3A_186 = arith.constant 32 : i32
      %mul3A_187 = arith.muli %add3A_174, %mul3A_186 : i32
      %add3A_188 = arith.addi %mul3A_2, %mul3A_187 : i32
      %dma_start3A_189 = arith.constant 1 : i32
      %dma_start3A_190 = arith.constant 0 : i32
      %dma_start3A_191 = arith.constant 0 : i32
      %dma_start3A_192 = tpu.memref_slice %arg6[%dma_start3A_189, %dma_start3A_190, %dma_start3A_191] : memref<3x32x1024xf32, #tpu.memory_space<vmem>> -> memref<1x32x1024xf32, #tpu.memory_space<vmem>>
      %dma_start3A_193 = tpu.memref_squeeze %dma_start3A_192 : memref<1x32x1024xf32, #tpu.memory_space<vmem>> -> memref<32x1024xf32, #tpu.memory_space<vmem>>
      %dma_start3A_194 = arith.constant 0 : i32
      %dma_start3A_195 = tpu.memref_slice %arg4[%add3A_188, %dma_start3A_194] : memref<32768x1024xf32, #tpu.memory_space<hbm>> -> memref<32x1024xf32, #tpu.memory_space<hbm>>
      %dma_start3A_196 = arith.constant 0 : i32
      %dma_start3A_197 = tpu.memref_slice %arg4[%add3A_188, %dma_start3A_196] : memref<32768x1024xf32, #tpu.memory_space<hbm>> -> memref<32x1024xf32, #tpu.memory_space<hbm>>
      %dma_start3A_198 = arith.constant 0 : i32
      %dma_start3A_199 = arith.constant 0 : i32
      %dma_start3A_200 = tpu.memref_slice %arg6[%dma_start3A_189, %dma_start3A_198, %dma_start3A_199] : memref<3x32x1024xf32, #tpu.memory_space<vmem>> -> memref<1x32x1024xf32, #tpu.memory_space<vmem>>
      %dma_start3A_201 = tpu.memref_squeeze %dma_start3A_200 : memref<1x32x1024xf32, #tpu.memory_space<vmem>> -> memref<32x1024xf32, #tpu.memory_space<vmem>>
      tpu.enqueue_dma source(%dma_start3A_201 : memref<32x1024xf32, #tpu.memory_space<vmem>>) target(%dma_start3A_197 : memref<32x1024xf32, #tpu.memory_space<hbm>>) target_semaphore(%arg11 : memref<!tpu.dma_semaphore, #tpu.memory_space<semaphore_mem>>)
      %dma_wait3A_202 = arith.constant 1 : i32
      %dma_wait3A_203 = arith.constant 0 : i32
      %dma_wait3A_204 = arith.constant 0 : i32
      %dma_wait3A_205 = tpu.memref_slice %arg6[%dma_wait3A_202, %dma_wait3A_203, %dma_wait3A_204] : memref<3x32x1024xf32, #tpu.memory_space<vmem>> -> memref<1x32x1024xf32, #tpu.memory_space<vmem>>
      %dma_wait3A_206 = tpu.memref_squeeze %dma_wait3A_205 : memref<1x32x1024xf32, #tpu.memory_space<vmem>> -> memref<32x1024xf32, #tpu.memory_space<vmem>>
      %dma_wait3A_207 = arith.constant 0 : i32
      %dma_wait3A_208 = tpu.memref_slice %arg4[%add3A_188, %dma_wait3A_207] : memref<32768x1024xf32, #tpu.memory_space<hbm>> -> memref<32x1024xf32, #tpu.memory_space<hbm>>
      %dma_wait3A_209 = arith.constant 0 : i32
      %dma_wait3A_210 = tpu.memref_slice %arg4[%add3A_188, %dma_wait3A_209] : memref<32768x1024xf32, #tpu.memory_space<hbm>> -> memref<32x1024xf32, #tpu.memory_space<hbm>>
      %dma_wait3A_211 = arith.constant 0 : i32
      %dma_wait3A_212 = arith.constant 0 : i32
      %dma_wait3A_213 = tpu.memref_slice %arg6[%dma_wait3A_202, %dma_wait3A_211, %dma_wait3A_212] : memref<3x32x1024xf32, #tpu.memory_space<vmem>> -> memref<1x32x1024xf32, #tpu.memory_space<vmem>>
      %dma_wait3A_214 = tpu.memref_squeeze %dma_wait3A_213 : memref<1x32x1024xf32, #tpu.memory_space<vmem>> -> memref<32x1024xf32, #tpu.memory_space<vmem>>
      tpu.wait_dma2 semaphore(%arg11 : memref<!tpu.dma_semaphore, #tpu.memory_space<semaphore_mem>>) src(%dma_wait3A_214 : memref<32x1024xf32, #tpu.memory_space<vmem>>) dst(%dma_wait3A_210 : memref<32x1024xf32, #tpu.memory_space<hbm>>)
      %add3A_215 = arith.constant 3 : i32
      %add3A_216 = arith.addi %add3A_174, %add3A_215 : i32
      %lt3A_217 = arith.constant 32 : i32
      %lt3A_218 = arith.cmpi slt, %add3A_216, %lt3A_217 : i32
      %convert_element_type3A_219 = arith.extui %lt3A_218 : i1 to i32
      %cond3A_220 = arith.constant 0 : i32
      %cond3A_221 = arith.cmpi ne, %convert_element_type3A_219, %cond3A_220 : i32
      scf.if %cond3A_221 {
        %add3A_273 = arith.constant 3 : i32
        %add3A_274 = arith.addi %add3A_174, %add3A_273 : i32
        %dma_start3A_275 = arith.constant 1 : i32
        %dma_start3A_276 = arith.constant 0 : i32
        %dma_start3A_277 = arith.constant 0 : i32
        %dma_start3A_278 = tpu.memref_slice %arg6[%dma_start3A_275, %dma_start3A_276, %dma_start3A_277] : memref<3x32x1024xf32, #tpu.memory_space<vmem>> -> memref<1x32x1024xf32, #tpu.memory_space<vmem>>
        %dma_start3A_279 = tpu.memref_squeeze %dma_start3A_278 : memref<1x32x1024xf32, #tpu.memory_space<vmem>> -> memref<32x1024xf32, #tpu.memory_space<vmem>>
        %dma_start3A_280 = arith.constant 0 : i32
        %dma_start3A_281 = tpu.memref_slice %arg5[%add3A_274, %dma_start3A_280] : memref<32x32xi32, #tpu.memory_space<vmem>> -> memref<1x32xi32, #tpu.memory_space<vmem>>
        %dma_start3A_282 = tpu.memref_squeeze %dma_start3A_281 : memref<1x32xi32, #tpu.memory_space<vmem>> -> memref<32xi32, #tpu.memory_space<vmem>>
        %dma_start3A_283 = arith.constant 0 : i32
        %dma_start3A_284 = arith.constant 0 : i32
        %dma_start3A_285 = tpu.memref_slice %arg3[%dma_start3A_283, %dma_start3A_284] : memref<8192x1024xf32, #tpu.memory_space<hbm>> -> memref<8192x1024xf32, #tpu.memory_space<hbm>>
        tpu.enqueue_indirect_dma source(%dma_start3A_285 : memref<8192x1024xf32, #tpu.memory_space<hbm>>) target(%dma_start3A_279 : memref<32x1024xf32, #tpu.memory_space<vmem>>) offsets(%dma_start3A_282 : memref<32xi32, #tpu.memory_space<vmem>>) semaphore(%arg8 : memref<!tpu.dma_semaphore, #tpu.memory_space<semaphore_mem>>)
      } else {
      }
      %mul3A_222 = arith.constant 3 : i32
      %mul3A_223 = arith.muli %scan3A_122, %mul3A_222 : i32
      %add3A_224 = arith.constant 2 : i32
      %add3A_225 = arith.addi %mul3A_223, %add3A_224 : i32
      %dma_wait3A_226 = arith.constant 2 : i32
      %dma_wait3A_227 = arith.constant 0 : i32
      %dma_wait3A_228 = arith.constant 0 : i32
      %dma_wait3A_229 = tpu.memref_slice %arg6[%dma_wait3A_226, %dma_wait3A_227, %dma_wait3A_228] : memref<3x32x1024xf32, #tpu.memory_space<vmem>> -> memref<1x32x1024xf32, #tpu.memory_space<vmem>>
      %dma_wait3A_230 = tpu.memref_squeeze %dma_wait3A_229 : memref<1x32x1024xf32, #tpu.memory_space<vmem>> -> memref<32x1024xf32, #tpu.memory_space<vmem>>
      %dma_wait3A_231 = arith.constant 0 : i32
      %dma_wait3A_232 = tpu.memref_slice %arg5[%add3A_225, %dma_wait3A_231] : memref<32x32xi32, #tpu.memory_space<vmem>> -> memref<1x32xi32, #tpu.memory_space<vmem>>
      %dma_wait3A_233 = tpu.memref_squeeze %dma_wait3A_232 : memref<1x32xi32, #tpu.memory_space<vmem>> -> memref<32xi32, #tpu.memory_space<vmem>>
      %dma_wait3A_234 = arith.constant 0 : i32
      %dma_wait3A_235 = arith.constant 0 : i32
      %dma_wait3A_236 = tpu.memref_slice %arg3[%dma_wait3A_234, %dma_wait3A_235] : memref<8192x1024xf32, #tpu.memory_space<hbm>> -> memref<8192x1024xf32, #tpu.memory_space<hbm>>
      tpu.wait_indirect_dma semaphore(%arg9 : memref<!tpu.dma_semaphore, #tpu.memory_space<semaphore_mem>>) src(%dma_wait3A_236 : memref<8192x1024xf32, #tpu.memory_space<hbm>>) dst(%dma_wait3A_230 : memref<32x1024xf32, #tpu.memory_space<vmem>>)
      %mul3A_237 = arith.constant 32 : i32
      %mul3A_238 = arith.muli %add3A_225, %mul3A_237 : i32
      %add3A_239 = arith.addi %mul3A_2, %mul3A_238 : i32
      %dma_start3A_240 = arith.constant 2 : i32
      %dma_start3A_241 = arith.constant 0 : i32
      %dma_start3A_242 = arith.constant 0 : i32
      %dma_start3A_243 = tpu.memref_slice %arg6[%dma_start3A_240, %dma_start3A_241, %dma_start3A_242] : memref<3x32x1024xf32, #tpu.memory_space<vmem>> -> memref<1x32x1024xf32, #tpu.memory_space<vmem>>
      %dma_start3A_244 = tpu.memref_squeeze %dma_start3A_243 : memref<1x32x1024xf32, #tpu.memory_space<vmem>> -> memref<32x1024xf32, #tpu.memory_space<vmem>>
      %dma_start3A_245 = arith.constant 0 : i32
      %dma_start3A_246 = tpu.memref_slice %arg4[%add3A_239, %dma_start3A_245] : memref<32768x1024xf32, #tpu.memory_space<hbm>> -> memref<32x1024xf32, #tpu.memory_space<hbm>>
      %dma_start3A_247 = arith.constant 0 : i32
      %dma_start3A_248 = tpu.memref_slice %arg4[%add3A_239, %dma_start3A_247] : memref<32768x1024xf32, #tpu.memory_space<hbm>> -> memref<32x1024xf32, #tpu.memory_space<hbm>>
      %dma_start3A_249 = arith.constant 0 : i32
      %dma_start3A_250 = arith.constant 0 : i32
      %dma_start3A_251 = tpu.memref_slice %arg6[%dma_start3A_240, %dma_start3A_249, %dma_start3A_250] : memref<3x32x1024xf32, #tpu.memory_space<vmem>> -> memref<1x32x1024xf32, #tpu.memory_space<vmem>>
      %dma_start3A_252 = tpu.memref_squeeze %dma_start3A_251 : memref<1x32x1024xf32, #tpu.memory_space<vmem>> -> memref<32x1024xf32, #tpu.memory_space<vmem>>
      tpu.enqueue_dma source(%dma_start3A_252 : memref<32x1024xf32, #tpu.memory_space<vmem>>) target(%dma_start3A_248 : memref<32x1024xf32, #tpu.memory_space<hbm>>) target_semaphore(%arg12 : memref<!tpu.dma_semaphore, #tpu.memory_space<semaphore_mem>>)
      %dma_wait3A_253 = arith.constant 2 : i32
      %dma_wait3A_254 = arith.constant 0 : i32
      %dma_wait3A_255 = arith.constant 0 : i32
      %dma_wait3A_256 = tpu.memref_slice %arg6[%dma_wait3A_253, %dma_wait3A_254, %dma_wait3A_255] : memref<3x32x1024xf32, #tpu.memory_space<vmem>> -> memref<1x32x1024xf32, #tpu.memory_space<vmem>>
      %dma_wait3A_257 = tpu.memref_squeeze %dma_wait3A_256 : memref<1x32x1024xf32, #tpu.memory_space<vmem>> -> memref<32x1024xf32, #tpu.memory_space<vmem>>
      %dma_wait3A_258 = arith.constant 0 : i32
      %dma_wait3A_259 = tpu.memref_slice %arg4[%add3A_239, %dma_wait3A_258] : memref<32768x1024xf32, #tpu.memory_space<hbm>> -> memref<32x1024xf32, #tpu.memory_space<hbm>>
      %dma_wait3A_260 = arith.constant 0 : i32
      %dma_wait3A_261 = tpu.memref_slice %arg4[%add3A_239, %dma_wait3A_260] : memref<32768x1024xf32, #tpu.memory_space<hbm>> -> memref<32x1024xf32, #tpu.memory_space<hbm>>
      %dma_wait3A_262 = arith.constant 0 : i32
      %dma_wait3A_263 = arith.constant 0 : i32
      %dma_wait3A_264 = tpu.memref_slice %arg6[%dma_wait3A_253, %dma_wait3A_262, %dma_wait3A_263] : memref<3x32x1024xf32, #tpu.memory_space<vmem>> -> memref<1x32x1024xf32, #tpu.memory_space<vmem>>
      %dma_wait3A_265 = tpu.memref_squeeze %dma_wait3A_264 : memref<1x32x1024xf32, #tpu.memory_space<vmem>> -> memref<32x1024xf32, #tpu.memory_space<vmem>>
      tpu.wait_dma2 semaphore(%arg12 : memref<!tpu.dma_semaphore, #tpu.memory_space<semaphore_mem>>) src(%dma_wait3A_265 : memref<32x1024xf32, #tpu.memory_space<vmem>>) dst(%dma_wait3A_261 : memref<32x1024xf32, #tpu.memory_space<hbm>>)
      %add3A_266 = arith.constant 3 : i32
      %add3A_267 = arith.addi %add3A_225, %add3A_266 : i32
      %lt3A_268 = arith.constant 32 : i32
      %lt3A_269 = arith.cmpi slt, %add3A_267, %lt3A_268 : i32
      %convert_element_type3A_270 = arith.extui %lt3A_269 : i1 to i32
      %cond3A_271 = arith.constant 0 : i32
      %cond3A_272 = arith.cmpi ne, %convert_element_type3A_270, %cond3A_271 : i32
      scf.if %cond3A_272 {
        %add3A_273 = arith.constant 3 : i32
        %add3A_274 = arith.addi %add3A_225, %add3A_273 : i32
        %dma_start3A_275 = arith.constant 2 : i32
        %dma_start3A_276 = arith.constant 0 : i32
        %dma_start3A_277 = arith.constant 0 : i32
        %dma_start3A_278 = tpu.memref_slice %arg6[%dma_start3A_275, %dma_start3A_276, %dma_start3A_277] : memref<3x32x1024xf32, #tpu.memory_space<vmem>> -> memref<1x32x1024xf32, #tpu.memory_space<vmem>>
        %dma_start3A_279 = tpu.memref_squeeze %dma_start3A_278 : memref<1x32x1024xf32, #tpu.memory_space<vmem>> -> memref<32x1024xf32, #tpu.memory_space<vmem>>
        %dma_start3A_280 = arith.constant 0 : i32
        %dma_start3A_281 = tpu.memref_slice %arg5[%add3A_274, %dma_start3A_280] : memref<32x32xi32, #tpu.memory_space<vmem>> -> memref<1x32xi32, #tpu.memory_space<vmem>>
        %dma_start3A_282 = tpu.memref_squeeze %dma_start3A_281 : memref<1x32xi32, #tpu.memory_space<vmem>> -> memref<32xi32, #tpu.memory_space<vmem>>
        %dma_start3A_283 = arith.constant 0 : i32
        %dma_start3A_284 = arith.constant 0 : i32
        %dma_start3A_285 = tpu.memref_slice %arg3[%dma_start3A_283, %dma_start3A_284] : memref<8192x1024xf32, #tpu.memory_space<hbm>> -> memref<8192x1024xf32, #tpu.memory_space<hbm>>
        tpu.enqueue_indirect_dma source(%dma_start3A_285 : memref<8192x1024xf32, #tpu.memory_space<hbm>>) target(%dma_start3A_279 : memref<32x1024xf32, #tpu.memory_space<vmem>>) offsets(%dma_start3A_282 : memref<32xi32, #tpu.memory_space<vmem>>) semaphore(%arg9 : memref<!tpu.dma_semaphore, #tpu.memory_space<semaphore_mem>>)
      } else {
      }
    }
    %scan3A_42 = arith.constant 10 : i32
    %dma_wait3A = arith.constant 30 : i32
    %dma_wait3A_43 = arith.constant 0 : i32
    %dma_wait3A_44 = arith.constant 0 : i32
    %dma_wait3A_45 = arith.constant 0 : i32
    %dma_wait3A_46 = tpu.memref_slice %arg6[%dma_wait3A_43, %dma_wait3A_44, %dma_wait3A_45] : memref<3x32x1024xf32, #tpu.memory_space<vmem>> -> memref<1x32x1024xf32, #tpu.memory_space<vmem>>
    %dma_wait3A_47 = tpu.memref_squeeze %dma_wait3A_46 : memref<1x32x1024xf32, #tpu.memory_space<vmem>> -> memref<32x1024xf32, #tpu.memory_space<vmem>>
    %dma_wait3A_48 = arith.constant 0 : i32
    %dma_wait3A_49 = tpu.memref_slice %arg5[%dma_wait3A, %dma_wait3A_48] : memref<32x32xi32, #tpu.memory_space<vmem>> -> memref<1x32xi32, #tpu.memory_space<vmem>>
    %dma_wait3A_50 = tpu.memref_squeeze %dma_wait3A_49 : memref<1x32xi32, #tpu.memory_space<vmem>> -> memref<32xi32, #tpu.memory_space<vmem>>
    %dma_wait3A_51 = arith.constant 0 : i32
    %dma_wait3A_52 = arith.constant 0 : i32
    %dma_wait3A_53 = tpu.memref_slice %arg3[%dma_wait3A_51, %dma_wait3A_52] : memref<8192x1024xf32, #tpu.memory_space<hbm>> -> memref<8192x1024xf32, #tpu.memory_space<hbm>>
    tpu.wait_indirect_dma semaphore(%arg7 : memref<!tpu.dma_semaphore, #tpu.memory_space<semaphore_mem>>) src(%dma_wait3A_53 : memref<8192x1024xf32, #tpu.memory_space<hbm>>) dst(%dma_wait3A_47 : memref<32x1024xf32, #tpu.memory_space<vmem>>)
    %add3A_54 = arith.constant 960 : i32
    %add3A_55 = arith.addi %mul3A_2, %add3A_54 : i32
    %dma_start3A_56 = arith.constant 0 : i32
    %dma_start3A_57 = arith.constant 0 : i32
    %dma_start3A_58 = arith.constant 0 : i32
    %dma_start3A_59 = tpu.memref_slice %arg6[%dma_start3A_56, %dma_start3A_57, %dma_start3A_58] : memref<3x32x1024xf32, #tpu.memory_space<vmem>> -> memref<1x32x1024xf32, #tpu.memory_space<vmem>>
    %dma_start3A_60 = tpu.memref_squeeze %dma_start3A_59 : memref<1x32x1024xf32, #tpu.memory_space<vmem>> -> memref<32x1024xf32, #tpu.memory_space<vmem>>
    %dma_start3A_61 = arith.constant 0 : i32
    %dma_start3A_62 = tpu.memref_slice %arg4[%add3A_55, %dma_start3A_61] : memref<32768x1024xf32, #tpu.memory_space<hbm>> -> memref<32x1024xf32, #tpu.memory_space<hbm>>
    %dma_start3A_63 = arith.constant 0 : i32
    %dma_start3A_64 = tpu.memref_slice %arg4[%add3A_55, %dma_start3A_63] : memref<32768x1024xf32, #tpu.memory_space<hbm>> -> memref<32x1024xf32, #tpu.memory_space<hbm>>
    %dma_start3A_65 = arith.constant 0 : i32
    %dma_start3A_66 = arith.constant 0 : i32
    %dma_start3A_67 = tpu.memref_slice %arg6[%dma_start3A_56, %dma_start3A_65, %dma_start3A_66] : memref<3x32x1024xf32, #tpu.memory_space<vmem>> -> memref<1x32x1024xf32, #tpu.memory_space<vmem>>
    %dma_start3A_68 = tpu.memref_squeeze %dma_start3A_67 : memref<1x32x1024xf32, #tpu.memory_space<vmem>> -> memref<32x1024xf32, #tpu.memory_space<vmem>>
    tpu.enqueue_dma source(%dma_start3A_68 : memref<32x1024xf32, #tpu.memory_space<vmem>>) target(%dma_start3A_64 : memref<32x1024xf32, #tpu.memory_space<hbm>>) target_semaphore(%arg10 : memref<!tpu.dma_semaphore, #tpu.memory_space<semaphore_mem>>)
    %dma_wait3A_69 = arith.constant 0 : i32
    %dma_wait3A_70 = arith.constant 0 : i32
    %dma_wait3A_71 = arith.constant 0 : i32
    %dma_wait3A_72 = tpu.memref_slice %arg6[%dma_wait3A_69, %dma_wait3A_70, %dma_wait3A_71] : memref<3x32x1024xf32, #tpu.memory_space<vmem>> -> memref<1x32x1024xf32, #tpu.memory_space<vmem>>
    %dma_wait3A_73 = tpu.memref_squeeze %dma_wait3A_72 : memref<1x32x1024xf32, #tpu.memory_space<vmem>> -> memref<32x1024xf32, #tpu.memory_space<vmem>>
    %dma_wait3A_74 = arith.constant 0 : i32
    %dma_wait3A_75 = tpu.memref_slice %arg4[%add3A_55, %dma_wait3A_74] : memref<32768x1024xf32, #tpu.memory_space<hbm>> -> memref<32x1024xf32, #tpu.memory_space<hbm>>
    %dma_wait3A_76 = arith.constant 0 : i32
    %dma_wait3A_77 = tpu.memref_slice %arg4[%add3A_55, %dma_wait3A_76] : memref<32768x1024xf32, #tpu.memory_space<hbm>> -> memref<32x1024xf32, #tpu.memory_space<hbm>>
    %dma_wait3A_78 = arith.constant 0 : i32
    %dma_wait3A_79 = arith.constant 0 : i32
    %dma_wait3A_80 = tpu.memref_slice %arg6[%dma_wait3A_69, %dma_wait3A_78, %dma_wait3A_79] : memref<3x32x1024xf32, #tpu.memory_space<vmem>> -> memref<1x32x1024xf32, #tpu.memory_space<vmem>>
    %dma_wait3A_81 = tpu.memref_squeeze %dma_wait3A_80 : memref<1x32x1024xf32, #tpu.memory_space<vmem>> -> memref<32x1024xf32, #tpu.memory_space<vmem>>
    tpu.wait_dma2 semaphore(%arg10 : memref<!tpu.dma_semaphore, #tpu.memory_space<semaphore_mem>>) src(%dma_wait3A_81 : memref<32x1024xf32, #tpu.memory_space<vmem>>) dst(%dma_wait3A_77 : memref<32x1024xf32, #tpu.memory_space<hbm>>)
    %dma_wait3A_82 = arith.constant 31 : i32
    %dma_wait3A_83 = arith.constant 1 : i32
    %dma_wait3A_84 = arith.constant 0 : i32
    %dma_wait3A_85 = arith.constant 0 : i32
    %dma_wait3A_86 = tpu.memref_slice %arg6[%dma_wait3A_83, %dma_wait3A_84, %dma_wait3A_85] : memref<3x32x1024xf32, #tpu.memory_space<vmem>> -> memref<1x32x1024xf32, #tpu.memory_space<vmem>>
    %dma_wait3A_87 = tpu.memref_squeeze %dma_wait3A_86 : memref<1x32x1024xf32, #tpu.memory_space<vmem>> -> memref<32x1024xf32, #tpu.memory_space<vmem>>
    %dma_wait3A_88 = arith.constant 0 : i32
    %dma_wait3A_89 = tpu.memref_slice %arg5[%dma_wait3A_82, %dma_wait3A_88] : memref<32x32xi32, #tpu.memory_space<vmem>> -> memref<1x32xi32, #tpu.memory_space<vmem>>
    %dma_wait3A_90 = tpu.memref_squeeze %dma_wait3A_89 : memref<1x32xi32, #tpu.memory_space<vmem>> -> memref<32xi32, #tpu.memory_space<vmem>>
    %dma_wait3A_91 = arith.constant 0 : i32
    %dma_wait3A_92 = arith.constant 0 : i32
    %dma_wait3A_93 = tpu.memref_slice %arg3[%dma_wait3A_91, %dma_wait3A_92] : memref<8192x1024xf32, #tpu.memory_space<hbm>> -> memref<8192x1024xf32, #tpu.memory_space<hbm>>
    tpu.wait_indirect_dma semaphore(%arg8 : memref<!tpu.dma_semaphore, #tpu.memory_space<semaphore_mem>>) src(%dma_wait3A_93 : memref<8192x1024xf32, #tpu.memory_space<hbm>>) dst(%dma_wait3A_87 : memref<32x1024xf32, #tpu.memory_space<vmem>>)
    %add3A_94 = arith.constant 992 : i32
    %add3A_95 = arith.addi %mul3A_2, %add3A_94 : i32
    %dma_start3A_96 = arith.constant 1 : i32
    %dma_start3A_97 = arith.constant 0 : i32
    %dma_start3A_98 = arith.constant 0 : i32
    %dma_start3A_99 = tpu.memref_slice %arg6[%dma_start3A_96, %dma_start3A_97, %dma_start3A_98] : memref<3x32x1024xf32, #tpu.memory_space<vmem>> -> memref<1x32x1024xf32, #tpu.memory_space<vmem>>
    %dma_start3A_100 = tpu.memref_squeeze %dma_start3A_99 : memref<1x32x1024xf32, #tpu.memory_space<vmem>> -> memref<32x1024xf32, #tpu.memory_space<vmem>>
    %dma_start3A_101 = arith.constant 0 : i32
    %dma_start3A_102 = tpu.memref_slice %arg4[%add3A_95, %dma_start3A_101] : memref<32768x1024xf32, #tpu.memory_space<hbm>> -> memref<32x1024xf32, #tpu.memory_space<hbm>>
    %dma_start3A_103 = arith.constant 0 : i32
    %dma_start3A_104 = tpu.memref_slice %arg4[%add3A_95, %dma_start3A_103] : memref<32768x1024xf32, #tpu.memory_space<hbm>> -> memref<32x1024xf32, #tpu.memory_space<hbm>>
    %dma_start3A_105 = arith.constant 0 : i32
    %dma_start3A_106 = arith.constant 0 : i32
    %dma_start3A_107 = tpu.memref_slice %arg6[%dma_start3A_96, %dma_start3A_105, %dma_start3A_106] : memref<3x32x1024xf32, #tpu.memory_space<vmem>> -> memref<1x32x1024xf32, #tpu.memory_space<vmem>>
    %dma_start3A_108 = tpu.memref_squeeze %dma_start3A_107 : memref<1x32x1024xf32, #tpu.memory_space<vmem>> -> memref<32x1024xf32, #tpu.memory_space<vmem>>
    tpu.enqueue_dma source(%dma_start3A_108 : memref<32x1024xf32, #tpu.memory_space<vmem>>) target(%dma_start3A_104 : memref<32x1024xf32, #tpu.memory_space<hbm>>) target_semaphore(%arg11 : memref<!tpu.dma_semaphore, #tpu.memory_space<semaphore_mem>>)
    %dma_wait3A_109 = arith.constant 1 : i32
    %dma_wait3A_110 = arith.constant 0 : i32
    %dma_wait3A_111 = arith.constant 0 : i32
    %dma_wait3A_112 = tpu.memref_slice %arg6[%dma_wait3A_109, %dma_wait3A_110, %dma_wait3A_111] : memref<3x32x1024xf32, #tpu.memory_space<vmem>> -> memref<1x32x1024xf32, #tpu.memory_space<vmem>>
    %dma_wait3A_113 = tpu.memref_squeeze %dma_wait3A_112 : memref<1x32x1024xf32, #tpu.memory_space<vmem>> -> memref<32x1024xf32, #tpu.memory_space<vmem>>
    %dma_wait3A_114 = arith.constant 0 : i32
    %dma_wait3A_115 = tpu.memref_slice %arg4[%add3A_95, %dma_wait3A_114] : memref<32768x1024xf32, #tpu.memory_space<hbm>> -> memref<32x1024xf32, #tpu.memory_space<hbm>>
    %dma_wait3A_116 = arith.constant 0 : i32
    %dma_wait3A_117 = tpu.memref_slice %arg4[%add3A_95, %dma_wait3A_116] : memref<32768x1024xf32, #tpu.memory_space<hbm>> -> memref<32x1024xf32, #tpu.memory_space<hbm>>
    %dma_wait3A_118 = arith.constant 0 : i32
    %dma_wait3A_119 = arith.constant 0 : i32
    %dma_wait3A_120 = tpu.memref_slice %arg6[%dma_wait3A_109, %dma_wait3A_118, %dma_wait3A_119] : memref<3x32x1024xf32, #tpu.memory_space<vmem>> -> memref<1x32x1024xf32, #tpu.memory_space<vmem>>
    %dma_wait3A_121 = tpu.memref_squeeze %dma_wait3A_120 : memref<1x32x1024xf32, #tpu.memory_space<vmem>> -> memref<32x1024xf32, #tpu.memory_space<vmem>>
    tpu.wait_dma2 semaphore(%arg11 : memref<!tpu.dma_semaphore, #tpu.memory_space<semaphore_mem>>) src(%dma_wait3A_121 : memref<32x1024xf32, #tpu.memory_space<vmem>>) dst(%dma_wait3A_117 : memref<32x1024xf32, #tpu.memory_space<hbm>>)
    return
  }
}

</mosaic_0001>

<sc_bundles>
// kernel: kernel.3.cloned.1.call-start
scs
__scs_entry_jumppad:
0x0: {  	(pc) =	sbr.rel $0x88, $3  }
0x1: {  	(tag) =	ssettag $0x0;
	lr =	simm.s32 $0x1  }
0x2: {  	[smem:$0x3F9F] =	sst lr;
	_ =	strace $0xD0000000  }
0x3: {  	_ = 	snop  }
0x4: {  	_ = 	snop  }
0x5: {  	_ = 	snop  }
0x6: {  	_ = 	snop  }
0x7: {  	_ = 	snop  }
__scs_overlays_trampoline_lowered:
0x8: {  	[smem:$0x3FAE] =	sst s0  }
0x9: {  	[smem:$0x3FAF] =	sst s1  }
0xa: {  	[smem:$0x3FB0] =	sst s2  }
0xb: {  	[smem:$0x3FB1] =	sst s3  }
0xc: {  	[smem:$0x3FB2] =	sst s4  }
0xd: {  	[smem:$0x3FB3] =	sst s5  }
0xe: {  	[smem:$0x3FB4] =	sst s6  }
0xf: {  	[smem:$0x3FB5] =	sst s7  }
0x10: {  	[smem:$0x3FB6] =	sst s8  }
0x11: {  	[smem:$0x3FB7] =	sst s9;
	s0 =	simm.s32 @!p0 $0x0  }
0x12: {  	s1 =	sld [smem:$0x3F9D];
	s0 =	simm.s32 @p0 $0x1  }
0x13: {  	[smem:$0x3FB8] =	sst s0;
	s0 =	simm.s32 @!p1 $0x0  }
0x14: {  	s2 =	sld [smem:$0x3F9C];
	s0 =	simm.s32 @p1 $0x1  }
0x15: {  	[smem:$0x3FB9] =	sst s0;
	s0 =	simm.s32 @!p2 $0x0  }
0x16: {  	s3 =	sld [smem:$0x3FDB];
	s0 =	simm.s32 @p2 $0x1  }
0x17: {  	s4 =	simm.s32 $0x1BF5;
	[smem:$0x3FBB] =	sst s0  }
0x18: {  	s0 =	sld [smem:$0x3F9E];
	_ =	swait.ge [sflag:s4], $0x0  }
0x19: {  	s7 =	sld [smem:$0x3F9F]  }
0x1a: {  	s8 =	sadd.s32 $0xFFFFE003, lr  }
0x1b: {  	s9 =	sadd.s32 $0xFFFFFEF7, lr;
	s5 =	simm.s32 $0xFFFFFFFF;
	p2 =	slt.u32 s8, $0xFFFFF086  }
0x1c: {  	p1 =	slt.u32 s9, $0xF7A;
	s5 =	simm.s32 @!p2 $0x0  }
0x1d: {  	s5 =	simm.s32 @p1 $0x1;
	p0 =	seq.s32 s7, s2  }
0x1e: {  	s7 =	smul.u32 @!p0 $0xF7A, s2;
	p2 =	seq.s32 @!p0 s5, $0x0  }
0x1f: {  	s9 =	smul.u32 $0xF7A, s1;
	s8 =	simm.s32 @!p0 $0x1BF5;
	p2 =	por !p2, p0  }
0x20: {  	[sflag:s8] =	ssyncset.s32 @!p0 $0xFFFFF086;
	s6 =	sadd.s32 @!p0 s3, s7;
	s7 =	simm.s32 @!p0 $0x108  }
0x21: {  	s3 =	sadd.s32 s3, s9;
	s6 =	sadd.s32 @!p0 $0x88, s6;
	s7 =	simm.s32 @p2 $0x1082  }
0x22: {  	[simem:s7], [sflag:s8] =	dma.local @!p0 [hbm:s6], $0xF7A  }
0x23: {  	s9 =	sor.u32 $0xD0000000, s2;
	s6 =	simm.s32 $0x108;
	_ =	swait.ge @!p0 [sflag:s8], $0x0  }
0x24: {  	s3 =	sadd.s32 $0x88, s3;
	s6 =	simm.s32 @!p1 $0x1082;
	[sflag:s4] =	ssyncset.s32 $0xFFFFF086  }
0x25: {  	[simem:s6], [sflag:s4] =	dma.local [hbm:s3], $0xF7A  }
0x26: {  	[smem:$0x3F9F] =	sst s1;
	(tag) =	ssettag s2;
	_ =	strace s9  }
0x27: {  	s1 =	sld [smem:$0x3FAF]  }
0x28: {  	s2 =	sld [smem:$0x3FB0]  }
0x29: {  	s4 =	sld [smem:$0x3FB2]  }
0x2a: {  	p0 =	seq.s32 s5, $0x0;
	s5 =	sld [smem:$0x3FB3]  }
0x2b: {  	s6 =	sld [smem:$0x3FB4]  }
0x2c: {  	s7 =	sld [smem:$0x3FB5]  }
0x2d: {  	s3 =	simm.s32 $0x108;
	s8 =	sld [smem:$0x3FB6]  }
0x2e: {  	s3 =	simm.s32 @!p0 $0x1082;
	s9 =	sld [smem:$0x3FB7]  }
0x2f: {  	lr =	sadd.s32 s0, s3;
	s0 =	sld [smem:$0x3FAE]  }
0x30: {  	s3 =	sld [smem:$0x3FB1]  }
0x31: {  	[smem:$0x3FBA] =	sst s10  }
0x32: {  	s10 =	sld [smem:$0x3FB8];
	_ =	sdelay $0x3  }
0x33: {  	p0 =	seq.s32 s10, $0x1;
	s10 =	sld [smem:$0x3FBA];
	_ =	sdelay $0x3  }
0x34: {  	[smem:$0x3FBA] =	sst s10  }
0x35: {  	s10 =	sld [smem:$0x3FB9];
	_ =	sdelay $0x3  }
0x36: {  	p1 =	seq.s32 s10, $0x1;
	s10 =	sld [smem:$0x3FBA];
	_ =	sdelay $0x3  }
0x37: {  	[smem:$0x3FBA] =	sst s10  }
0x38: {  	s10 =	sld [smem:$0x3FBB]  }
0x39: {  	_ = 	snop;
	(pc) =	sbr.ind lr, $3  }
0x3a: {  	_ = 	snop  }
0x3b: {  	_ = 	snop  }
0x3c: {  	p2 =	seq.s32 s10, $0x1;
	s10 =	sld [smem:$0x3FBA]  }
0x3d: {  	_ =	shalt  }
0x3e: {  	_ =	shalt  }
0x3f: {  	_ =	shalt  }
0x40: {  	_ =	shalt  }
0x41: {  	_ =	shalt  }
0x42: {  	_ =	shalt  }
0x43: {  	_ =	shalt  }
0x44: {  	_ =	shalt  }
0x45: {  	_ =	shalt  }
0x46: {  	_ =	shalt  }
0x47: {  	_ =	shalt  }
0x48: {  	_ =	shalt  }
0x49: {  	_ =	shalt  }
0x4a: {  	_ =	shalt  }
0x4b: {  	_ =	shalt  }
0x4c: {  	_ =	shalt  }
0x4d: {  	_ =	shalt  }
0x4e: {  	_ =	shalt  }
0x4f: {  	_ =	shalt  }
0x50: {  	_ =	shalt  }
0x51: {  	_ =	shalt  }
0x52: {  	_ =	shalt  }
0x53: {  	_ =	shalt  }
0x54: {  	_ =	shalt  }
0x55: {  	_ =	shalt  }
0x56: {  	_ =	shalt  }
0x57: {  	_ =	shalt  }
0x58: {  	_ =	shalt  }
0x59: {  	_ =	shalt  }
0x5a: {  	_ =	shalt  }
0x5b: {  	_ =	shalt  }
0x5c: {  	_ =	shalt  }
0x5d: {  	_ =	shalt  }
0x5e: {  	_ =	shalt  }
0x5f: {  	_ =	shalt  }
0x60: {  	_ =	shalt  }
0x61: {  	_ =	shalt  }
0x62: {  	_ =	shalt  }
0x63: {  	_ =	shalt  }
0x64: {  	_ =	shalt  }
0x65: {  	_ =	shalt  }
0x66: {  	_ =	shalt  }
0x67: {  	_ =	shalt  }
0x68: {  	_ =	shalt  }
0x69: {  	_ =	shalt  }
0x6a: {  	_ =	shalt  }
0x6b: {  	_ =	shalt  }
0x6c: {  	_ =	shalt  }
0x6d: {  	_ =	shalt  }
0x6e: {  	_ =	shalt  }
0x6f: {  	_ =	shalt  }
0x70: {  	_ =	shalt  }
0x71: {  	_ =	shalt  }
0x72: {  	_ =	shalt  }
0x73: {  	_ =	shalt  }
0x74: {  	_ =	shalt  }
0x75: {  	_ =	shalt  }
0x76: {  	_ =	shalt  }
0x77: {  	_ =	shalt  }
0x78: {  	_ =	shalt  }
0x79: {  	_ =	shalt  }
0x7a: {  	_ =	shalt  }
0x7b: {  	_ =	shalt  }
0x7c: {  	_ =	shalt  }
0x7d: {  	_ =	shalt  }
0x7e: {  	_ =	shalt  }
0x7f: {  	_ =	shalt  }
0x80: {  	_ =	shalt  }
0x81: {  	_ =	shalt  }
0x82: {  	_ =	shalt  }
0x83: {  	_ =	shalt  }
0x84: {  	_ =	shalt  }
0x85: {  	_ =	shalt  }
0x86: {  	_ =	shalt  }
0x87: {  	_ =	shalt  }
.Lfunc_end0:
.L_simem_size_0:
called_computation_lowered:
.L_overlay_start_0:
0x88: {  	s2 =	sld [smem:$0x3FD9]  }
0x89: {  	s3 =	sld [smem:$0x3FFE];
	_ =	sdelay $0x1  }
0x8a: {  	s1 =	srdreg.scid  }
0x8b: {  	s0 =	sand.u32 $0x1, s1  }
0x8c: {  	s17 =	sshll.u32 s0, $0xA;
	s2 =	sadd.s32 s3, s2  }
0x8d: {  	s2 =	sadd.s32 s2, s17  }
0x8e: {  	[smem:$0x3FC6] =	sst s2  }
0x8f: {  	_ = 	snop  }
0x90: {  	s2 =	sld [smem:$0x3FC8]  }
0x91: {  	s18 =	sld [smem:$0x3FD0];
	(tm) =	ssettm $0x1  }
0x92: {  	s4 =	sld [smem:$0x3FFB];
	_ =	sdelay $0x3  }
0x93: {  	_ =	strace s4  }
0x94: {  	s4 =	sld [smem:$0x3FFC];
	_ =	sdelay $0x3  }
0x95: {  	_ =	strace s4  }
0x96: {  	s4 =	sld [smem:$0x3FFD];
	_ =	sdelay $0x3  }
0x97: {  	_ =	strace s4  }
0x98: {  	_ =	strace $0x8FFFFFFF  }
0x99: {  	s19 =	sld [smem:$0x3FDB];
	_ =	sdelay $0x1  }
0x9a: {  	s5 =	simm.s32 $_scs_section_size  }
0x9b: {  	s6 =	simm.s32 $_size__tile_overlayer_lowered;
	s7 =	simm.s32 $_tile_overlayer_lowered  }
0x9c: {  	s22 =	simm.s32 $0x1BFF;
	s21 =	sshll.u32 s7, $0x1;
	s4 =	sadd.s32 s5, s19  }
0x9d: {  	s8 =	simm.s32 $0x0;
	s20 =	sshll.u32 s6, $0x1;
	s6 =	sadd.s32 s21, s4  }
0x9e: {  	[timem:s8], [sflag:s22] =	dma.local [hbm:s6], s20  }
0x9f: {  	_ =	swait.ge [sflag:s22], s20  }
0xa0: {  	s5 =	ssub.s32 $0x0, s20;
	[sflag:s22] =	ssyncset.done $0x0  }
0xa1: {  	[sflag:s22] =	ssyncadd.s32 s5;
	_ =	sdelay $0x1  }
0xa2: {  	s23 =	simm.s32 $0x1B8B  }
0xa3: {  	_ =	swait.ge [sflag:s23], $0x1  }
0xa4: {  	[sflag:s23] =	ssyncset.done $0x0  }
0xa5: {  	s25 =	simm.s32 $0x1B8E;
	s24 =	sld [smem:$0x3FFE];
	[sflag:s23] =	ssyncadd.s32 $0xFFFFFFFF  }
0xa6: {  	s26 =	simm.s32 $execute0_lowered;
	[smem:$0x3FD2] =	sst s25  }
0xa7: {  	s6 =	sshll.u32 s26, $0x1;
	_ =	strace $0x80000046;
	[dreg:$0x1] =	wrdreg $0xFFFFFFFF  }
0xa8: {  	s28 =	simm.s32 $_size_execute0_lowered;
	s4 =	sadd.s32 s4, s6;
	[dreg:$0x0] =	wrdreg $0x0  }
0xa9: {  	s6 =	sshll.u32 s28, $0x1;
	[dreg:$0x2] =	wrdreg s4  }
0xaa: {  	[dreg:$0x3] =	wrdreg s6  }
0xab: {  	[dreg:$0x4] =	wrdreg $0xC0  }
0xac: {  	_ =	task [dreg:s8], $0x5FFFF  }
0xad: {  	[dreg:$0x1] =	wrdreg $0xFFFFFFFF  }
0xae: {  	[dreg:$0x0] =	wrdreg $0x60  }
0xaf: {  	[dreg:$0x2] =	wrdreg s24  }
0xb0: {  	[dreg:$0x3] =	wrdreg s2  }
0xb1: {  	[dreg:$0x4] =	wrdreg s18  }
0xb2: {  	[dreg:$0x5] =	wrdreg $0x9  }
0xb3: {  	_ =	task.clear_ibuf [dreg:s8], $0x6FFFF;
	_ =	strace $0x90000046  }
0xb4: {  	s29 =	simm.s32 $0x9;
	_ =	strace $0x80000048  }
0xb5: {  	_ =	swait.ge [sflag:s29], $0x1  }
0xb6: {  	[sflag:s29] =	ssyncadd.s32 $0xFFFFFFFF  }
0xb7: {  	_ =	strace $0x90000048  }
0xb8: {  	_ =	sfence  }
0xb9: {  	s30 =	sld [smem:$0x0];
	_ =	sdelay $0x2  }
0xba: {  	s31 =	sshll.u32 s1, $0xD;
	s1 =	sshrl.u32 s1, $0x2  }
0xbb: {  	s3 =	sand.u32 $0x4000, s31;
	s1 =	sadd.s32 s1, s30  }
0xbc: {  	s0 =	sor.u32 s3, s0;
	s1 =	sshll.u32 s1, $0x11  }
0xbd: {  	s0 =	sor.u32 s1, s0  }
0xbe: {  	s0 =	sadd.s32 $0x8F2B, s0  }
0xbf: {  	[sflag:s0] =	ssyncadd.remote.s32 $0x1  }
0xc0: {  	_ =	sfence.sel $0xFFFF  }
0xc1: {  	[dreg:$0x0] =	wrdreg $0xFFFFFFFF;
	(pc) =	sbr.abs _section_cstart, $3  }
0xc2: {  	[dreg:$0x1] =	wrdreg $0xFFFFFFFF  }
0xc3: {  	_ =	task.clear_ibuf [dreg:s8], $0x2FFFF;
	_ =	strace $0x9FFFFFFF  }
0xc4: {  	(tm) =	ssettm $0x7FFFFFFF  }
0xc5: {  	_ =	shalt  }
tec
execute0_lowered:
.L_overlay_start_1:
0x0: {  	(tag) =	ssettag $0x1  }
0x1: {  	s0 =	rddreg [dreg:$0x0]  }
0x2: {  	s2 =	rddreg [dreg:$0x1]  }
0x3: {  	s1 =	rddreg [dreg:$0x2]  }
0x4: {  	s3 =	srdreg.scid;
	s9 =	stileid.u32  }
0x5: {  	s13 =	simm.s32 $0x1000;
	s30 =	simm.s32 $0x9000;
	s18 =	simm.s32 $0xF800  }
0x6: {  	s19 =	simm.s32 $0x10000;
	s20 =	simm.s32 $0x10800;
	s21 =	simm.s32 $0x11000  }
0x7: {  	s29 =	simm.s32 $0x14800;
	s31 =	simm.s32 $0x15000;
	s22 =	simm.s32 $0x18800  }
0x8: {  	s12 =	simm.s32 $0x1;
	s23 =	simm.s32 $0x4;
	s14 =	simm.s32 $0x2  }
0x9: {  	s15 =	simm.s32 $0x3;
	s17 =	simm.s32 $0x0;
	s4 =	sand.u32 $0x1, s3  }
0xa: {  	s5 =	sshll.u32 s9, $0x1;
	s3 =	simm.s32 $0x0;
	s26 =	sshll.u32 s9, $0x12  }
0xb: {  	s9 =	simm.s32 $0x17800;
	s6 =	sor.u32 s4, s5;
	s24 =	ssub.s32 $0x2, s4  }
0xc: {  	[smem:$0x7FF] =	sst s3;
	s5 =	sadd.s32 $0x100, s2;
	s28 =	sshll.u32 s4, $0x11  }
0xd: {  	s4 =	simm.s32 $0x16800;
	s7 =	sshll.u32 s6, $0x9;
	s8 =	sshrl.u32 s24, $0x1  }
0xe: {  	_ =	strace $0x80000047;
	s25 =	sshll.u32 s6, $0x11;
	s6 =	sadd.s32 $0x200, s2  }
0xf: {  	s0 =	sadd.s32 s7, s0;
	s8 =	ssub.s32 s24, s8;
	s7 =	sadd.s32 $0x300, s2  }
0x10: {  	s24 =	simm.s32 $0x5;
	s0 =	sadd.s32 $0x400, s0;
	s8 =	smax.u32 s8, $0x1  }
.Ltmp0:
0x11: {  	[dreg:$0x4] =	wrdreg s0;
	s0 =	sadd.s32 s25, s1;
	(pc) =	sbr.rel .LBB2_1-.Ltmp0, $4  }
0x12: {  	[dreg:$0x7] =	wrdreg s8;
	s8 =	simm.s32 $0x17000;
	s10 =	sadd.s32 $0x1E000, s0  }
0x13: {  	v2 =	vlaneseq.u32;
	s25 =	simm.s32 $0x6;
	s0 =	sadd.s32 $0x1F000, s0;
	[dreg:$0x5] =	wrdreg s10  }
0x14: {  	vm0 =	vmmov $0xffff;
	v1 =	vshrl.u32 v2, $0x3;
	[dreg:$0x6] =	wrdreg s0;
	s0 =	sadd.s32 s26, s1;
	s1 =	simm.s32 $0x16000  }
0x15: {  	v0 =	vand.u32 $0x7, v2;
	v2 =	vor.u32 $0x8, v2;
	v1 =	vmul.u32 $0x8, v1;
	s10 =	simm.s32 $0x18000;
	s11 =	sadd.s32 s28, s0;
	s0 =	simm.s32 $0x15800  }
.LBB2_4:
0x16: {  	_ =	swait.ge [sflag:s12], $0x8000  }
0x17: {  	[sflag:s12] =	ssyncset.done $0x0  }
0x18: {  	s16 =	rddreg [dreg:$0x5];
	[sflag:s12] =	ssyncadd.s32 $0xFFFF8000  }
0x19: {  	[hbm4b:s16+s3] =	stream.linear.scatter [tilespmem:s13], [sflag:$0x4], $0x8000, $0x38;
	[tilespmem:$0x19000] =	vst v63  }
0x1a: {  	_ =	swait.ge [sflag:s23], $0x8000  }
0x1b: {  	[sflag:s23] =	ssyncset.done $0x0  }
0x1c: {  	[sflag:s23] =	ssyncadd.s32 $0xFFFF8000  }
0x1d: {  	_ =	swait.ge [sflag:s14], $0x8000  }
0x1e: {  	[sflag:s14] =	ssyncset.done $0x0  }
0x1f: {  	s26 =	rddreg [dreg:$0x6];
	[sflag:s14] =	ssyncadd.s32 $0xFFFF8000  }
0x20: {  	[hbm4b:s26+s3] =	stream.linear.scatter [tilespmem:s30], [sflag:$0x5], $0x8000, $0x38;
	[tilespmem:$0x19000] =	vst v63  }
0x21: {  	_ =	swait.ge [sflag:s24], $0x8000  }
0x22: {  	s17 =	rddreg [dreg:$0x8]  }
0x23: {  	s28 =	rddreg [dreg:$0x7];
	s17 =	sadd.s32 $0x1, s17  }
0x24: {  	p0 =	sne.s32 s17, s28  }
.Ltmp1:
0x25: {  	_ = 	snop;
	(pc) =	sbr.rel @!p0 .LBB2_5-.Ltmp1, $3  }
0x26: {  	_ =	sdelay $0x1  }
0x27: {  	[sflag:s24] =	ssyncset.done $0x0  }
0x28: {  	[sflag:s24] =	ssyncadd.s32 $0xFFFF8000  }
.LBB2_1:
0x29: {  	[dreg:$0x8] =	wrdreg s17  }
0x2a: {  	s16 =	rddreg [dreg:$0x4];
	s28 =	simm.s32 $0x7  }
0x2b: {  	[tilespmem:s3], [sflag:$0x7] =	stream.linear.gather [hbm4b:s16+s3], $0x1000, $0x38;
	[tilespmem:$0x19000] =	vst v63  }
0x2c: {  	_ =	swait.ge [sflag:s28], $0x1000  }
0x2d: {  	[sflag:s28] =	ssyncset.done $0x0  }
0x2e: {  	[sflag:s28] =	ssyncadd.s32 $0xFFFFF000  }
0x2f: {  	v3 =	vld [tilespmem:$0x0];
	_ =	sdelay $0x4  }
0x30: {  	v4 =	vshll.u32 v3, $0x3  }
0x31: {  	v3 =	vand.u32 $0x7, v3;
	v4 =	vand.u32 $0xFFFFFFC0, v4  }
0x32: {  	v3 =	vor.u32 v3, v4  }
0x33: {  	v4 =	vperm.xlane v3, v0;
	_ =	sdelay $0x1  }
0x34: {  	v4 =	vadd.s32 v1, v4;
	_ =	sdelay $0x4  }
0x35: {  	[tilespmem:s13], [sflag:$0x1] =	stream.indirect_vreg.gather [hbm4b:s2+s3], $0x80, v4, vm0, $0xb8;
	[tilespmem:$0x19000] =	vst v63  }
0x36: {  	s17 =	simm.s32 $0x1800;
	v3 =	vperm.xlane v3, v2  }
0x37: {  	[tilespmem:s17], [sflag:$0x1] =	stream.indirect_vreg.gather [hbm4b:s5+s3], $0x80, v4, vm0, $0xb8;
	[tilespmem:$0x19000] =	vst v63  }
0x38: {  	s26 =	simm.s32 $0x2000;
	v3 =	vadd.s32 v1, v3  }
0x39: {  	[tilespmem:s26], [sflag:$0x1] =	stream.indirect_vreg.gather [hbm4b:s6+s3], $0x80, v4, vm0, $0xb8;
	[tilespmem:$0x19000] =	vst v63  }
0x3a: {  	s28 =	simm.s32 $0x2800  }
0x3b: {  	[tilespmem:s28], [sflag:$0x1] =	stream.indirect_vreg.gather [hbm4b:s7+s3], $0x80, v4, vm0, $0xb8;
	[tilespmem:$0x19000] =	vst v63  }
0x3c: {  	s17 =	simm.s32 $0x3000  }
0x3d: {  	[tilespmem:s17], [sflag:$0x1] =	stream.indirect_vreg.gather [hbm4b:s2+s3], $0x80, v3, vm0, $0xb8;
	[tilespmem:$0x19000] =	vst v63  }
0x3e: {  	s26 =	simm.s32 $0x3800  }
0x3f: {  	[tilespmem:s26], [sflag:$0x1] =	stream.indirect_vreg.gather [hbm4b:s5+s3], $0x80, v3, vm0, $0xb8;
	[tilespmem:$0x19000] =	vst v63  }
0x40: {  	s28 =	simm.s32 $0x4000  }
0x41: {  	[tilespmem:s28], [sflag:$0x1] =	stream.indirect_vreg.gather [hbm4b:s6+s3], $0x80, v3, vm0, $0xb8;
	[tilespmem:$0x19000] =	vst v63  }
0x42: {  	s17 =	simm.s32 $0x4800  }
0x43: {  	[tilespmem:s17], [sflag:$0x1] =	stream.indirect_vreg.gather [hbm4b:s7+s3], $0x80, v3, vm0, $0xb8;
	[tilespmem:$0x19000] =	vst v63  }
0x44: {  	v3 =	vld [tilespmem:$0x10];
	_ =	sdelay $0x4  }
0x45: {  	v59 =	vshll.u32 v3, $0x3  }
0x46: {  	v3 =	vand.u32 $0x7, v3;
	v4 =	vand.u32 $0xFFFFFFC0, v59  }
0x47: {  	v3 =	vor.u32 v3, v4  }
0x48: {  	v4 =	vperm.xlane v3, v0;
	_ =	sdelay $0x1  }
0x49: {  	v4 =	vadd.s32 v1, v4;
	_ =	sdelay $0x3  }
0x4a: {  	s26 =	simm.s32 $0x5000  }
0x4b: {  	[tilespmem:s26], [sflag:$0x1] =	stream.indirect_vreg.gather [hbm4b:s2+s3], $0x80, v4, vm0, $0xb8;
	[tilespmem:$0x19000] =	vst v63  }
0x4c: {  	s28 =	simm.s32 $0x5800;
	v3 =	vperm.xlane v3, v2  }
0x4d: {  	[tilespmem:s28], [sflag:$0x1] =	stream.indirect_vreg.gather [hbm4b:s5+s3], $0x80, v4, vm0, $0xb8;
	[tilespmem:$0x19000] =	vst v63  }
0x4e: {  	s17 =	simm.s32 $0x6000;
	v3 =	vadd.s32 v1, v3  }
0x4f: {  	[tilespmem:s17], [sflag:$0x1] =	stream.indirect_vreg.gather [hbm4b:s6+s3], $0x80, v4, vm0, $0xb8;
	[tilespmem:$0x19000] =	vst v63  }
0x50: {  	s26 =	simm.s32 $0x6800  }
0x51: {  	[tilespmem:s26], [sflag:$0x1] =	stream.indirect_vreg.gather [hbm4b:s7+s3], $0x80, v4, vm0, $0xb8;
	[tilespmem:$0x19000] =	vst v63  }
0x52: {  	s28 =	simm.s32 $0x7000  }
0x53: {  	[tilespmem:s28], [sflag:$0x1] =	stream.indirect_vreg.gather [hbm4b:s2+s3], $0x80, v3, vm0, $0xb8;
	[tilespmem:$0x19000] =	vst v63  }
0x54: {  	s17 =	simm.s32 $0x7800  }
0x55: {  	[tilespmem:s17], [sflag:$0x1] =	stream.indirect_vreg.gather [hbm4b:s5+s3], $0x80, v3, vm0, $0xb8;
	[tilespmem:$0x19000] =	vst v63  }
0x56: {  	s26 =	simm.s32 $0x8000  }
0x57: {  	[tilespmem:s26], [sflag:$0x1] =	stream.indirect_vreg.gather [hbm4b:s6+s3], $0x80, v3, vm0, $0xb8;
	[tilespmem:$0x19000] =	vst v63  }
0x58: {  	s28 =	simm.s32 $0x8800  }
0x59: {  	[tilespmem:s28], [sflag:$0x1] =	stream.indirect_vreg.gather [hbm4b:s7+s3], $0x80, v3, vm0, $0xb8;
	[tilespmem:$0x19000] =	vst v63  }
0x5a: {  	v3 =	vld [tilespmem:$0x80];
	_ =	sdelay $0x4  }
0x5b: {  	v60 =	vshll.u32 v3, $0x3  }
0x5c: {  	v3 =	vand.u32 $0x7, v3;
	v4 =	vand.u32 $0xFFFFFFC0, v60  }
0x5d: {  	v3 =	vor.u32 v3, v4  }
0x5e: {  	v4 =	vperm.xlane v3, v0;
	_ =	sdelay $0x1  }
0x5f: {  	v4 =	vadd.s32 v1, v4;
	_ =	sdelay $0x4  }
0x60: {  	[tilespmem:s30], [sflag:$0x2] =	stream.indirect_vreg.gather [hbm4b:s2+s3], $0x80, v4, vm0, $0xb8;
	[tilespmem:$0x19000] =	vst v63  }
0x61: {  	s17 =	simm.s32 $0x9800;
	v3 =	vperm.xlane v3, v2  }
0x62: {  	[tilespmem:s17], [sflag:$0x2] =	stream.indirect_vreg.gather [hbm4b:s5+s3], $0x80, v4, vm0, $0xb8;
	[tilespmem:$0x19000] =	vst v63  }
0x63: {  	s26 =	simm.s32 $0xA000;
	v3 =	vadd.s32 v1, v3  }
0x64: {  	[tilespmem:s26], [sflag:$0x2] =	stream.indirect_vreg.gather [hbm4b:s6+s3], $0x80, v4, vm0, $0xb8;
	[tilespmem:$0x19000] =	vst v63  }
0x65: {  	s28 =	simm.s32 $0xA800  }
0x66: {  	[tilespmem:s28], [sflag:$0x2] =	stream.indirect_vreg.gather [hbm4b:s7+s3], $0x80, v4, vm0, $0xb8;
	[tilespmem:$0x19000] =	vst v63  }
0x67: {  	s17 =	simm.s32 $0xB000  }
0x68: {  	[tilespmem:s17], [sflag:$0x2] =	stream.indirect_vreg.gather [hbm4b:s2+s3], $0x80, v3, vm0, $0xb8;
	[tilespmem:$0x19000] =	vst v63  }
0x69: {  	s26 =	simm.s32 $0xB800  }
0x6a: {  	[tilespmem:s26], [sflag:$0x2] =	stream.indirect_vreg.gather [hbm4b:s5+s3], $0x80, v3, vm0, $0xb8;
	[tilespmem:$0x19000] =	vst v63  }
0x6b: {  	s28 =	simm.s32 $0xC000  }
0x6c: {  	[tilespmem:s28], [sflag:$0x2] =	stream.indirect_vreg.gather [hbm4b:s6+s3], $0x80, v3, vm0, $0xb8;
	[tilespmem:$0x19000] =	vst v63  }
0x6d: {  	s17 =	simm.s32 $0xC800  }
0x6e: {  	[tilespmem:s17], [sflag:$0x2] =	stream.indirect_vreg.gather [hbm4b:s7+s3], $0x80, v3, vm0, $0xb8;
	[tilespmem:$0x19000] =	vst v63  }
0x6f: {  	v3 =	vld [tilespmem:$0x90];
	_ =	sdelay $0x4  }
0x70: {  	v61 =	vshll.u32 v3, $0x3  }
0x71: {  	v3 =	vand.u32 $0x7, v3;
	v4 =	vand.u32 $0xFFFFFFC0, v61  }
0x72: {  	v3 =	vor.u32 v3, v4  }
0x73: {  	v4 =	vperm.xlane v3, v0;
	_ =	sdelay $0x1  }
0x74: {  	v4 =	vadd.s32 v1, v4;
	_ =	sdelay $0x3  }
0x75: {  	s26 =	simm.s32 $0xD000  }
0x76: {  	[tilespmem:s26], [sflag:$0x2] =	stream.indirect_vreg.gather [hbm4b:s2+s3], $0x80, v4, vm0, $0xb8;
	[tilespmem:$0x19000] =	vst v63  }
0x77: {  	s28 =	simm.s32 $0xD800;
	v3 =	vperm.xlane v3, v2  }
0x78: {  	[tilespmem:s28], [sflag:$0x2] =	stream.indirect_vreg.gather [hbm4b:s5+s3], $0x80, v4, vm0, $0xb8;
	[tilespmem:$0x19000] =	vst v63  }
0x79: {  	s17 =	simm.s32 $0xE000;
	v3 =	vadd.s32 v1, v3  }
0x7a: {  	[tilespmem:s17], [sflag:$0x2] =	stream.indirect_vreg.gather [hbm4b:s6+s3], $0x80, v4, vm0, $0xb8;
	[tilespmem:$0x19000] =	vst v63  }
0x7b: {  	s26 =	simm.s32 $0xE800  }
0x7c: {  	[tilespmem:s26], [sflag:$0x2] =	stream.indirect_vreg.gather [hbm4b:s7+s3], $0x80, v4, vm0, $0xb8;
	[tilespmem:$0x19000] =	vst v63  }
0x7d: {  	s28 =	simm.s32 $0xF000  }
0x7e: {  	[tilespmem:s28], [sflag:$0x2] =	stream.indirect_vreg.gather [hbm4b:s2+s3], $0x80, v3, vm0, $0xb8;
	[tilespmem:$0x19000] =	vst v63  }
0x7f: {  	_ = 	snop  }
0x80: {  	[tilespmem:s18], [sflag:$0x2] =	stream.indirect_vreg.gather [hbm4b:s5+s3], $0x80, v3, vm0, $0xb8;
	[tilespmem:$0x19000] =	vst v63  }
0x81: {  	_ = 	snop  }
0x82: {  	[tilespmem:s19], [sflag:$0x2] =	stream.indirect_vreg.gather [hbm4b:s6+s3], $0x80, v3, vm0, $0xb8;
	[tilespmem:$0x19000] =	vst v63  }
0x83: {  	_ = 	snop  }
0x84: {  	[tilespmem:s20], [sflag:$0x2] =	stream.indirect_vreg.gather [hbm4b:s7+s3], $0x80, v3, vm0, $0xb8;
	[tilespmem:$0x19000] =	vst v63  }
0x85: {  	v3 =	vld [tilespmem:$0x100];
	_ =	sdelay $0x4  }
0x86: {  	v62 =	vshll.u32 v3, $0x3  }
0x87: {  	v3 =	vand.u32 $0x7, v3;
	v4 =	vand.u32 $0xFFFFFFC0, v62  }
0x88: {  	v3 =	vor.u32 v3, v4  }
0x89: {  	v4 =	vperm.xlane v3, v0;
	_ =	sdelay $0x1  }
0x8a: {  	v4 =	vadd.s32 v1, v4;
	_ =	sdelay $0x4  }
0x8b: {  	[tilespmem:s21], [sflag:$0x3] =	stream.indirect_vreg.gather [hbm4b:s2+s3], $0x80, v4, vm0, $0xb8;
	[tilespmem:$0x19000] =	vst v63  }
0x8c: {  	s17 =	simm.s32 $0x11800;
	v3 =	vperm.xlane v3, v2  }
0x8d: {  	[tilespmem:s17], [sflag:$0x3] =	stream.indirect_vreg.gather [hbm4b:s5+s3], $0x80, v4, vm0, $0xb8;
	[tilespmem:$0x19000] =	vst v63  }
0x8e: {  	s26 =	simm.s32 $0x12000;
	v3 =	vadd.s32 v1, v3  }
0x8f: {  	[tilespmem:s26], [sflag:$0x3] =	stream.indirect_vreg.gather [hbm4b:s6+s3], $0x80, v4, vm0, $0xb8;
	[tilespmem:$0x19000] =	vst v63  }
0x90: {  	s28 =	simm.s32 $0x12800  }
0x91: {  	[tilespmem:s28], [sflag:$0x3] =	stream.indirect_vreg.gather [hbm4b:s7+s3], $0x80, v4, vm0, $0xb8;
	[tilespmem:$0x19000] =	vst v63  }
0x92: {  	s17 =	simm.s32 $0x13000  }
0x93: {  	[tilespmem:s17], [sflag:$0x3] =	stream.indirect_vreg.gather [hbm4b:s2+s3], $0x80, v3, vm0, $0xb8;
	[tilespmem:$0x19000] =	vst v63  }
0x94: {  	s26 =	simm.s32 $0x13800  }
0x95: {  	[tilespmem:s26], [sflag:$0x3] =	stream.indirect_vreg.gather [hbm4b:s5+s3], $0x80, v3, vm0, $0xb8;
	[tilespmem:$0x19000] =	vst v63  }
0x96: {  	s28 =	simm.s32 $0x14000  }
0x97: {  	[tilespmem:s28], [sflag:$0x3] =	stream.indirect_vreg.gather [hbm4b:s6+s3], $0x80, v3, vm0, $0xb8;
	[tilespmem:$0x19000] =	vst v63  }
0x98: {  	_ = 	snop  }
0x99: {  	[tilespmem:s29], [sflag:$0x3] =	stream.indirect_vreg.gather [hbm4b:s7+s3], $0x80, v3, vm0, $0xb8;
	[tilespmem:$0x19000] =	vst v63  }
0x9a: {  	v3 =	vld [tilespmem:$0x110];
	_ =	sdelay $0x4  }
0x9b: {  	v63 =	vshll.u32 v3, $0x3  }
0x9c: {  	v3 =	vand.u32 $0x7, v3;
	v4 =	vand.u32 $0xFFFFFFC0, v63  }
0x9d: {  	v3 =	vor.u32 v3, v4  }
0x9e: {  	v4 =	vperm.xlane v3, v0;
	_ =	sdelay $0x1  }
0x9f: {  	v4 =	vadd.s32 v1, v4;
	_ =	sdelay $0x4  }
0xa0: {  	[tilespmem:s31], [sflag:$0x3] =	stream.indirect_vreg.gather [hbm4b:s2+s3], $0x80, v4, vm0, $0xb8;
	[tilespmem:$0x19000] =	vst v63  }
0xa1: {  	v3 =	vperm.xlane v3, v2  }
0xa2: {  	[tilespmem:s0], [sflag:$0x3] =	stream.indirect_vreg.gather [hbm4b:s5+s3], $0x80, v4, vm0, $0xb8;
	[tilespmem:$0x19000] =	vst v63  }
0xa3: {  	v3 =	vadd.s32 v1, v3  }
0xa4: {  	[tilespmem:s1], [sflag:$0x3] =	stream.indirect_vreg.gather [hbm4b:s6+s3], $0x80, v4, vm0, $0xb8;
	[tilespmem:$0x19000] =	vst v63  }
0xa5: {  	_ = 	snop  }
0xa6: {  	[tilespmem:s4], [sflag:$0x3] =	stream.indirect_vreg.gather [hbm4b:s7+s3], $0x80, v4, vm0, $0xb8;
	[tilespmem:$0x19000] =	vst v63  }
0xa7: {  	_ = 	snop  }
0xa8: {  	[tilespmem:s8], [sflag:$0x3] =	stream.indirect_vreg.gather [hbm4b:s2+s3], $0x80, v3, vm0, $0xb8;
	[tilespmem:$0x19000] =	vst v63  }
0xa9: {  	_ = 	snop  }
0xaa: {  	[tilespmem:s9], [sflag:$0x3] =	stream.indirect_vreg.gather [hbm4b:s5+s3], $0x80, v3, vm0, $0xb8;
	[tilespmem:$0x19000] =	vst v63  }
0xab: {  	_ = 	snop  }
0xac: {  	[tilespmem:s10], [sflag:$0x3] =	stream.indirect_vreg.gather [hbm4b:s6+s3], $0x80, v3, vm0, $0xb8;
	[tilespmem:$0x19000] =	vst v63  }
0xad: {  	s16 =	simm.s32 $0x290;
	s26 =	simm.s32 $0x0  }
0xae: {  	[tilespmem:s22], [sflag:$0x3] =	stream.indirect_vreg.gather [hbm4b:s7+s3], $0x80, v3, vm0, $0xb8;
	[tilespmem:$0x19000] =	vst v63  }
.LBB2_2:
0xaf: {  	_ =	swait.ge [sflag:s12], $0x8000  }
0xb0: {  	[sflag:s12] =	ssyncset.done $0x0  }
0xb1: {  	s17 =	sadd.s32 s26, s11;
	[sflag:s12] =	ssyncadd.s32 $0xFFFF8000  }
0xb2: {  	[hbm4b:s17+s3] =	stream.linear.scatter [tilespmem:s13], [sflag:$0x4], $0x8000, $0x38;
	[tilespmem:$0x19000] =	vst v63  }
0xb3: {  	_ =	swait.ge [sflag:s23], $0x8000  }
0xb4: {  	[sflag:s23] =	ssyncset.done $0x0  }
0xb5: {  	[sflag:s23] =	ssyncadd.s32 $0xFFFF8000  }
0xb6: {  	v3 =	vld [tilespmem:s16+$0xFFFFFEF0];
	_ =	sdelay $0x4  }
0xb7: {  	v4 =	vshll.u32 v3, $0x3  }
0xb8: {  	v3 =	vand.u32 $0x7, v3;
	v4 =	vand.u32 $0xFFFFFFC0, v4  }
0xb9: {  	v3 =	vor.u32 v3, v4  }
0xba: {  	v4 =	vperm.xlane v3, v0;
	_ =	sdelay $0x1  }
0xbb: {  	v4 =	vadd.s32 v1, v4;
	_ =	sdelay $0x4  }
0xbc: {  	[tilespmem:s13], [sflag:$0x1] =	stream.indirect_vreg.gather [hbm4b:s2+s3], $0x80, v4, vm0, $0xb8;
	[tilespmem:$0x19000] =	vst v63  }
0xbd: {  	s28 =	simm.s32 $0x1800;
	v3 =	vperm.xlane v3, v2  }
0xbe: {  	[tilespmem:s28], [sflag:$0x1] =	stream.indirect_vreg.gather [hbm4b:s5+s3], $0x80, v4, vm0, $0xb8;
	[tilespmem:$0x19000] =	vst v63  }
0xbf: {  	v3 =	vadd.s32 v1, v3;
	s28 =	simm.s32 $0x2000  }
0xc0: {  	[tilespmem:s28], [sflag:$0x1] =	stream.indirect_vreg.gather [hbm4b:s6+s3], $0x80, v4, vm0, $0xb8;
	[tilespmem:$0x19000] =	vst v63  }
0xc1: {  	s28 =	simm.s32 $0x2800  }
0xc2: {  	[tilespmem:s28], [sflag:$0x1] =	stream.indirect_vreg.gather [hbm4b:s7+s3], $0x80, v4, vm0, $0xb8;
	[tilespmem:$0x19000] =	vst v63  }
0xc3: {  	s28 =	simm.s32 $0x3000  }
0xc4: {  	[tilespmem:s28], [sflag:$0x1] =	stream.indirect_vreg.gather [hbm4b:s2+s3], $0x80, v3, vm0, $0xb8;
	[tilespmem:$0x19000] =	vst v63  }
0xc5: {  	s28 =	simm.s32 $0x3800  }
0xc6: {  	[tilespmem:s28], [sflag:$0x1] =	stream.indirect_vreg.gather [hbm4b:s5+s3], $0x80, v3, vm0, $0xb8;
	[tilespmem:$0x19000] =	vst v63  }
0xc7: {  	s28 =	simm.s32 $0x4000  }
0xc8: {  	[tilespmem:s28], [sflag:$0x1] =	stream.indirect_vreg.gather [hbm4b:s6+s3], $0x80, v3, vm0, $0xb8;
	[tilespmem:$0x19000] =	vst v63  }
0xc9: {  	s28 =	simm.s32 $0x4800  }
0xca: {  	[tilespmem:s28], [sflag:$0x1] =	stream.indirect_vreg.gather [hbm4b:s7+s3], $0x80, v3, vm0, $0xb8;
	[tilespmem:$0x19000] =	vst v63  }
0xcb: {  	v3 =	vld [tilespmem:s16+$0xFFFFFF00];
	_ =	sdelay $0x4  }
0xcc: {  	v61 =	vshll.u32 v3, $0x3  }
0xcd: {  	v3 =	vand.u32 $0x7, v3;
	v4 =	vand.u32 $0xFFFFFFC0, v61  }
0xce: {  	v3 =	vor.u32 v3, v4  }
0xcf: {  	v4 =	vperm.xlane v3, v0;
	_ =	sdelay $0x1  }
0xd0: {  	v4 =	vadd.s32 v1, v4;
	_ =	sdelay $0x3  }
0xd1: {  	s28 =	simm.s32 $0x5000  }
0xd2: {  	[tilespmem:s28], [sflag:$0x1] =	stream.indirect_vreg.gather [hbm4b:s2+s3], $0x80, v4, vm0, $0xb8;
	[tilespmem:$0x19000] =	vst v63  }
0xd3: {  	v3 =	vperm.xlane v3, v2;
	s28 =	simm.s32 $0x5800  }
0xd4: {  	[tilespmem:s28], [sflag:$0x1] =	stream.indirect_vreg.gather [hbm4b:s5+s3], $0x80, v4, vm0, $0xb8;
	[tilespmem:$0x19000] =	vst v63  }
0xd5: {  	v3 =	vadd.s32 v1, v3;
	s28 =	simm.s32 $0x6000  }
0xd6: {  	[tilespmem:s28], [sflag:$0x1] =	stream.indirect_vreg.gather [hbm4b:s6+s3], $0x80, v4, vm0, $0xb8;
	[tilespmem:$0x19000] =	vst v63  }
0xd7: {  	s28 =	simm.s32 $0x6800  }
0xd8: {  	[tilespmem:s28], [sflag:$0x1] =	stream.indirect_vreg.gather [hbm4b:s7+s3], $0x80, v4, vm0, $0xb8;
	[tilespmem:$0x19000] =	vst v63  }
0xd9: {  	s28 =	simm.s32 $0x7000  }
0xda: {  	[tilespmem:s28], [sflag:$0x1] =	stream.indirect_vreg.gather [hbm4b:s2+s3], $0x80, v3, vm0, $0xb8;
	[tilespmem:$0x19000] =	vst v63  }
0xdb: {  	s28 =	simm.s32 $0x7800  }
0xdc: {  	[tilespmem:s28], [sflag:$0x1] =	stream.indirect_vreg.gather [hbm4b:s5+s3], $0x80, v3, vm0, $0xb8;
	[tilespmem:$0x19000] =	vst v63  }
0xdd: {  	s28 =	simm.s32 $0x8000  }
0xde: {  	[tilespmem:s28], [sflag:$0x1] =	stream.indirect_vreg.gather [hbm4b:s6+s3], $0x80, v3, vm0, $0xb8;
	[tilespmem:$0x19000] =	vst v63  }
0xdf: {  	s28 =	simm.s32 $0x8800  }
0xe0: {  	[tilespmem:s28], [sflag:$0x1] =	stream.indirect_vreg.gather [hbm4b:s7+s3], $0x80, v3, vm0, $0xb8;
	[tilespmem:$0x19000] =	vst v63  }
0xe1: {  	_ =	swait.ge [sflag:s14], $0x8000  }
0xe2: {  	[sflag:s14] =	ssyncset.done $0x0  }
0xe3: {  	s28 =	sadd.s32 $0x1000, s17;
	[sflag:s14] =	ssyncadd.s32 $0xFFFF8000  }
0xe4: {  	[hbm4b:s28+s3] =	stream.linear.scatter [tilespmem:s30], [sflag:$0x5], $0x8000, $0x38;
	[tilespmem:$0x19000] =	vst v63  }
0xe5: {  	_ =	swait.ge [sflag:s24], $0x8000  }
0xe6: {  	[sflag:s24] =	ssyncset.done $0x0  }
0xe7: {  	[sflag:s24] =	ssyncadd.s32 $0xFFFF8000  }
0xe8: {  	v3 =	vld [tilespmem:s16+$0xFFFFFF70];
	_ =	sdelay $0x4  }
0xe9: {  	v62 =	vshll.u32 v3, $0x3  }
0xea: {  	v3 =	vand.u32 $0x7, v3;
	v4 =	vand.u32 $0xFFFFFFC0, v62  }
0xeb: {  	v3 =	vor.u32 v3, v4  }
0xec: {  	v4 =	vperm.xlane v3, v0;
	_ =	sdelay $0x1  }
0xed: {  	v4 =	vadd.s32 v1, v4;
	_ =	sdelay $0x4  }
0xee: {  	[tilespmem:s30], [sflag:$0x2] =	stream.indirect_vreg.gather [hbm4b:s2+s3], $0x80, v4, vm0, $0xb8;
	[tilespmem:$0x19000] =	vst v63  }
0xef: {  	s28 =	simm.s32 $0x9800;
	v3 =	vperm.xlane v3, v2  }
0xf0: {  	[tilespmem:s28], [sflag:$0x2] =	stream.indirect_vreg.gather [hbm4b:s5+s3], $0x80, v4, vm0, $0xb8;
	[tilespmem:$0x19000] =	vst v63  }
0xf1: {  	v3 =	vadd.s32 v1, v3;
	s28 =	simm.s32 $0xA000  }
0xf2: {  	[tilespmem:s28], [sflag:$0x2] =	stream.indirect_vreg.gather [hbm4b:s6+s3], $0x80, v4, vm0, $0xb8;
	[tilespmem:$0x19000] =	vst v63  }
0xf3: {  	s28 =	simm.s32 $0xA800  }
0xf4: {  	[tilespmem:s28], [sflag:$0x2] =	stream.indirect_vreg.gather [hbm4b:s7+s3], $0x80, v4, vm0, $0xb8;
	[tilespmem:$0x19000] =	vst v63  }
0xf5: {  	s28 =	simm.s32 $0xB000  }
0xf6: {  	[tilespmem:s28], [sflag:$0x2] =	stream.indirect_vreg.gather [hbm4b:s2+s3], $0x80, v3, vm0, $0xb8;
	[tilespmem:$0x19000] =	vst v63  }
0xf7: {  	s28 =	simm.s32 $0xB800  }
0xf8: {  	[tilespmem:s28], [sflag:$0x2] =	stream.indirect_vreg.gather [hbm4b:s5+s3], $0x80, v3, vm0, $0xb8;
	[tilespmem:$0x19000] =	vst v63  }
0xf9: {  	s28 =	simm.s32 $0xC000  }
0xfa: {  	[tilespmem:s28], [sflag:$0x2] =	stream.indirect_vreg.gather [hbm4b:s6+s3], $0x80, v3, vm0, $0xb8;
	[tilespmem:$0x19000] =	vst v63  }
0xfb: {  	s28 =	simm.s32 $0xC800  }
0xfc: {  	[tilespmem:s28], [sflag:$0x2] =	stream.indirect_vreg.gather [hbm4b:s7+s3], $0x80, v3, vm0, $0xb8;
	[tilespmem:$0x19000] =	vst v63  }
0xfd: {  	v3 =	vld [tilespmem:s16+$0xFFFFFF80];
	_ =	sdelay $0x4  }
0xfe: {  	v63 =	vshll.u32 v3, $0x3  }
0xff: {  	v3 =	vand.u32 $0x7, v3;
	v4 =	vand.u32 $0xFFFFFFC0, v63  }
0x100: {  	v3 =	vor.u32 v3, v4  }
0x101: {  	v4 =	vperm.xlane v3, v0;
	_ =	sdelay $0x1  }
0x102: {  	v4 =	vadd.s32 v1, v4;
	_ =	sdelay $0x3  }
0x103: {  	s28 =	simm.s32 $0xD000  }
0x104: {  	[tilespmem:s28], [sflag:$0x2] =	stream.indirect_vreg.gather [hbm4b:s2+s3], $0x80, v4, vm0, $0xb8;
	[tilespmem:$0x19000] =	vst v63  }
0x105: {  	v3 =	vperm.xlane v3, v2;
	s28 =	simm.s32 $0xD800  }
0x106: {  	[tilespmem:s28], [sflag:$0x2] =	stream.indirect_vreg.gather [hbm4b:s5+s3], $0x80, v4, vm0, $0xb8;
	[tilespmem:$0x19000] =	vst v63  }
0x107: {  	v3 =	vadd.s32 v1, v3;
	s28 =	simm.s32 $0xE000  }
0x108: {  	[tilespmem:s28], [sflag:$0x2] =	stream.indirect_vreg.gather [hbm4b:s6+s3], $0x80, v4, vm0, $0xb8;
	[tilespmem:$0x19000] =	vst v63  }
0x109: {  	s28 =	simm.s32 $0xE800  }
0x10a: {  	[tilespmem:s28], [sflag:$0x2] =	stream.indirect_vreg.gather [hbm4b:s7+s3], $0x80, v4, vm0, $0xb8;
	[tilespmem:$0x19000] =	vst v63  }
0x10b: {  	s28 =	simm.s32 $0xF000  }
0x10c: {  	[tilespmem:s28], [sflag:$0x2] =	stream.indirect_vreg.gather [hbm4b:s2+s3], $0x80, v3, vm0, $0xb8;
	[tilespmem:$0x19000] =	vst v63  }
0x10d: {  	_ = 	snop  }
0x10e: {  	[tilespmem:s18], [sflag:$0x2] =	stream.indirect_vreg.gather [hbm4b:s5+s3], $0x80, v3, vm0, $0xb8;
	[tilespmem:$0x19000] =	vst v63  }
0x10f: {  	_ = 	snop  }
0x110: {  	[tilespmem:s19], [sflag:$0x2] =	stream.indirect_vreg.gather [hbm4b:s6+s3], $0x80, v3, vm0, $0xb8;
	[tilespmem:$0x19000] =	vst v63  }
0x111: {  	_ = 	snop  }
0x112: {  	[tilespmem:s20], [sflag:$0x2] =	stream.indirect_vreg.gather [hbm4b:s7+s3], $0x80, v3, vm0, $0xb8;
	[tilespmem:$0x19000] =	vst v63  }
0x113: {  	_ =	swait.ge [sflag:s15], $0x8000  }
0x114: {  	p0 =	seq.s32 s26, $0x1B000;
	[sflag:s15] =	ssyncset.done $0x0  }
.Ltmp2:
0x115: {  	s17 =	sadd.s32 $0x2000, s17;
	[sflag:s15] =	ssyncadd.s32 $0xFFFF8000;
	(pc) =	sbr.rel @p0 .LBB2_4-.Ltmp2, $4  }
0x116: {  	[hbm4b:s17+s3] =	stream.linear.scatter [tilespmem:s21], [sflag:$0x6], $0x8000, $0x38;
	[tilespmem:$0x19000] =	vst v63  }
0x117: {  	_ =	swait.ge [sflag:s25], $0x8000  }
0x118: {  	[sflag:s25] =	ssyncset.done $0x0  }
0x119: {  	[sflag:s25] =	ssyncadd.s32 $0xFFFF8000  }
0x11a: {  	v3 =	vld [tilespmem:s16+$0xFFFFFFF0];
	_ =	sdelay $0x4  }
0x11b: {  	v4 =	vshll.u32 v3, $0x3  }
0x11c: {  	v3 =	vand.u32 $0x7, v3;
	v4 =	vand.u32 $0xFFFFFFC0, v4  }
0x11d: {  	v3 =	vor.u32 v3, v4  }
0x11e: {  	v4 =	vperm.xlane v3, v0;
	_ =	sdelay $0x1  }
0x11f: {  	v4 =	vadd.s32 v1, v4;
	_ =	sdelay $0x4  }
0x120: {  	[tilespmem:s21], [sflag:$0x3] =	stream.indirect_vreg.gather [hbm4b:s2+s3], $0x80, v4, vm0, $0xb8;
	[tilespmem:$0x19000] =	vst v63  }
0x121: {  	s17 =	simm.s32 $0x11800;
	v3 =	vperm.xlane v3, v2  }
0x122: {  	[tilespmem:s17], [sflag:$0x3] =	stream.indirect_vreg.gather [hbm4b:s5+s3], $0x80, v4, vm0, $0xb8;
	[tilespmem:$0x19000] =	vst v63  }
0x123: {  	s28 =	simm.s32 $0x12000;
	v3 =	vadd.s32 v1, v3  }
0x124: {  	[tilespmem:s28], [sflag:$0x3] =	stream.indirect_vreg.gather [hbm4b:s6+s3], $0x80, v4, vm0, $0xb8;
	[tilespmem:$0x19000] =	vst v63  }
0x125: {  	s28 =	simm.s32 $0x12800  }
0x126: {  	[tilespmem:s28], [sflag:$0x3] =	stream.indirect_vreg.gather [hbm4b:s7+s3], $0x80, v4, vm0, $0xb8;
	[tilespmem:$0x19000] =	vst v63  }
0x127: {  	s28 =	simm.s32 $0x13000  }
0x128: {  	[tilespmem:s28], [sflag:$0x3] =	stream.indirect_vreg.gather [hbm4b:s2+s3], $0x80, v3, vm0, $0xb8;
	[tilespmem:$0x19000] =	vst v63  }
0x129: {  	s28 =	simm.s32 $0x13800  }
0x12a: {  	[tilespmem:s28], [sflag:$0x3] =	stream.indirect_vreg.gather [hbm4b:s5+s3], $0x80, v3, vm0, $0xb8;
	[tilespmem:$0x19000] =	vst v63  }
0x12b: {  	s28 =	simm.s32 $0x14000  }
0x12c: {  	[tilespmem:s28], [sflag:$0x3] =	stream.indirect_vreg.gather [hbm4b:s6+s3], $0x80, v3, vm0, $0xb8;
	[tilespmem:$0x19000] =	vst v63  }
0x12d: {  	_ = 	snop  }
0x12e: {  	[tilespmem:s29], [sflag:$0x3] =	stream.indirect_vreg.gather [hbm4b:s7+s3], $0x80, v3, vm0, $0xb8;
	[tilespmem:$0x19000] =	vst v63  }
0x12f: {  	v3 =	vld [tilespmem:s16+$0x0];
	_ =	sdelay $0x4  }
0x130: {  	v63 =	vshll.u32 v3, $0x3  }
0x131: {  	v3 =	vand.u32 $0x7, v3;
	v4 =	vand.u32 $0xFFFFFFC0, v63  }
0x132: {  	v3 =	vor.u32 v3, v4  }
0x133: {  	v4 =	vperm.xlane v3, v0;
	_ =	sdelay $0x1  }
0x134: {  	v4 =	vadd.s32 v1, v4;
	_ =	sdelay $0x4  }
0x135: {  	[tilespmem:s31], [sflag:$0x3] =	stream.indirect_vreg.gather [hbm4b:s2+s3], $0x80, v4, vm0, $0xb8;
	[tilespmem:$0x19000] =	vst v63  }
0x136: {  	v3 =	vperm.xlane v3, v2  }
0x137: {  	[tilespmem:s0], [sflag:$0x3] =	stream.indirect_vreg.gather [hbm4b:s5+s3], $0x80, v4, vm0, $0xb8;
	[tilespmem:$0x19000] =	vst v63  }
0x138: {  	v3 =	vadd.s32 v1, v3  }
0x139: {  	[tilespmem:s1], [sflag:$0x3] =	stream.indirect_vreg.gather [hbm4b:s6+s3], $0x80, v4, vm0, $0xb8;
	[tilespmem:$0x19000] =	vst v63  }
0x13a: {  	_ = 	snop  }
0x13b: {  	[tilespmem:s4], [sflag:$0x3] =	stream.indirect_vreg.gather [hbm4b:s7+s3], $0x80, v4, vm0, $0xb8;
	[tilespmem:$0x19000] =	vst v63  }
0x13c: {  	_ = 	snop  }
0x13d: {  	[tilespmem:s8], [sflag:$0x3] =	stream.indirect_vreg.gather [hbm4b:s2+s3], $0x80, v3, vm0, $0xb8;
	[tilespmem:$0x19000] =	vst v63  }
0x13e: {  	_ = 	snop  }
0x13f: {  	[tilespmem:s9], [sflag:$0x3] =	stream.indirect_vreg.gather [hbm4b:s5+s3], $0x80, v3, vm0, $0xb8;
	[tilespmem:$0x19000] =	vst v63  }
.Ltmp3:
0x140: {  	_ = 	snop;
	(pc) =	sbr.rel .LBB2_2-.Ltmp3, $4  }
0x141: {  	_ = 	snop  }
0x142: {  	[tilespmem:s10], [sflag:$0x3] =	stream.indirect_vreg.gather [hbm4b:s6+s3], $0x80, v3, vm0, $0xb8;
	[tilespmem:$0x19000] =	vst v63  }
0x143: {  	s26 =	sadd.s32 $0x3000, s26;
	s16 =	sadd.s32 $0x180, s16  }
0x144: {  	[tilespmem:s22], [sflag:$0x3] =	stream.indirect_vreg.gather [hbm4b:s7+s3], $0x80, v3, vm0, $0xb8;
	[tilespmem:$0x19000] =	vst v63  }
.LBB2_5:
0x145: {  	_ =	sfence.sel $0x180000  }
0x146: {  	[bflag:$0x0] =	sbarrier.arrive $0xFFFF  }
0x147: {  	_ =	strace $0x90000047  }
0x148: {  	s0 =	stileid.u32;
	[bflag:$0x2] =	sbarrier.arrive $0xFFFF  }
0x149: {  	p0 =	sne.s32 s0, $0x0;
	s0 =	rddreg [dreg:$0x3]  }
0x14a: {  	s0 =	sadd.s32 @!p0 $0x100000, s0  }
0x14b: {  	[sflag:s0] =	ssyncadd.tile.s32 @!p0 $0x1;
	_ =	shalt  }
.Lfunc_end2:
_tile_overlayer_lowered:
.L_overlay_start_2:
0x14c: {  	(tag) =	ssettag $0x2  }
0x14d: {  	s0 =	rddreg [dreg:$0x0];
	s2 =	stileid.u32  }
0x14e: {  	s1 =	rddreg [dreg:$0x1];
	p0 =	sne.s32 s2, $0x0  }
0x14f: {  	s3 =	rddreg [dreg:$0x2];
	[bflag:$0x3] =	sbarrier.arrive $0xFFFF;
	s2 =	simm.s32 @!p0 $0x1C07  }
0x150: {  	[timem:s3], [sflag:s2] =	dma.local @!p0 [hbm:s0], s1  }
0x151: {  	s0 =	simm.s32 @!p0 $0x7  }
0x152: {  	_ =	swait.ge @!p0 [sflag:s0], s1  }
0x153: {  	s1 =	ssub.s32 @!p0 $0x0, s1;
	[sflag:s0] =	ssyncset.done @!p0 $0x0  }
0x154: {  	[sflag:s0] =	ssyncadd.s32 @!p0 s1  }
0x155: {  	[bflag:$0x3] =	sbarrier.arrive $0xFFFF  }
0x156: {  	_ =	shalt  }

</sc_bundles>
